<compile_context>
chip_gen: v7x
topology: tpu7x:2x2x1
jax: 0.10.2.dev20260603
libtpu: 0.0.44.dev20260713+nightly
codegen_flags: <defaults>
</compile_context>

<pallas_src>
import functools

import jax
import jax.numpy as jnp
from jax import lax
from jax.experimental import pallas as pl
from jax.experimental.pallas import tpu as pltpu
from jax.experimental.pallas import tpu_sc as plsc

NUM_TOKEN = 100000
EMBED_DIM = 64
GRID_SIZE = 200
B, N = 4096, 200
R = B * N

NW = 32
ROWS_PER_W = R // NW
CHUNK = 512
NG = CHUNK // 128
NCHUNK = ROWS_PER_W // CHUNK
LANES = 16


@functools.partial(
    pl.kernel,
    out_type=jax.ShapeDtypeStruct((R, EMBED_DIM), jnp.float32),
    mesh=plsc.VectorSubcoreMesh(core_axis_name="c", subcore_axis_name="s"),
    compiler_params=pltpu.CompilerParams(use_tc_tiling_on_sc=False),
    scratch_types=[
        pltpu.VMEM((CHUNK,), jnp.int32),
        pltpu.VMEM((NG, 128), jnp.int32),
        pltpu.VMEM((NG, 128), jnp.int32),
        pltpu.VMEM((CHUNK, EMBED_DIM), jnp.float32),
        pltpu.VMEM((CHUNK, EMBED_DIM), jnp.float32),
        pltpu.SemaphoreType.DMA,
    ],
)
def _embed_kernel(x_hbm, tok_hbm, pos_hbm, out_hbm,
                  x_v, tidx_v, pidx_v, trows_v, prows_v, sem):
    wid = lax.axis_index("s") * 2 + lax.axis_index("c")
    base = wid * ROWS_PER_W

    def chunk_body(ci, carry):
        row0 = base + ci * CHUNK
        pltpu.sync_copy(x_hbm.at[pl.ds(row0, CHUNK)], x_v)
        for g in range(CHUNK // LANES):
            a, off = g // 8, (g % 8) * LANES
            xv = x_v[pl.ds(g * LANES, LANES)]
            rowv = row0 + g * LANES + lax.iota(jnp.int32, LANES)
            nv = lax.rem(rowv, N)
            pad = xv == 0
            tidx_v[a, pl.ds(off, LANES)] = jnp.where(
                pad, nv + (NUM_TOKEN - GRID_SIZE), xv)
            pidx_v[a, pl.ds(off, LANES)] = jnp.where(pad, GRID_SIZE, nv)
        copies = []
        for a in range(NG):
            copies.append(pltpu.async_copy(
                tok_hbm.at[tidx_v.at[a]],
                trows_v.at[pl.ds(a * 128, 128)], sem))
            copies.append(pltpu.async_copy(
                pos_hbm.at[pidx_v.at[a]],
                prows_v.at[pl.ds(a * 128, 128)], sem))
        for cp in copies:
            cp.wait()

        def add_body(j, c2):
            for cc in range(EMBED_DIM // LANES):
                sl = pl.ds(cc * LANES, LANES)
                trows_v[j, sl] = trows_v[j, sl] + prows_v[j, sl]
            return c2

        lax.fori_loop(0, CHUNK, add_body, 0)
        pltpu.sync_copy(trows_v, out_hbm.at[pl.ds(row0, CHUNK)])
        return carry

    lax.fori_loop(0, NCHUNK, chunk_body, 0)


def kernel(x, tok_embed, pos_embed):
    out = _embed_kernel(x.reshape(R), tok_embed, pos_embed)
    return out.reshape(B, N, EMBED_DIM)

# --- scband reference (transcript-rebuilt; emitter-appended) ---
"""Pipeline reference for scband-hard1-dembedder-53369263620308 (READ-ONLY COPY).

The authoritative reference and input builder live on the scoring server;
editing this copy changes nothing except your own understanding.
"""

import jax, jax.numpy as jnp
import numpy as np

NUM_TOKEN = 100000
EMBED_DIM = 64
GRID_SIZE = 200  # prod(resolution=[200])
TOK_PADDING_IDX = 0
POS_PADDING_IDX = GRID_SIZE  # use_pos_padding=True -> pos table has GRID_SIZE+1 rows
B, N = 4096, 200


def setup_inputs(seed: int = 0) -> dict:
    key = jax.random.key(seed)
    k1, k2, k3 = jax.random.split(key, 3)
    x = jax.random.randint(k1, (B, N), 0, NUM_TOKEN, dtype=jnp.int64 if jax.config.jax_enable_x64 else jnp.int32).astype(jnp.int32)
    tok_embed = jax.random.normal(k2, (NUM_TOKEN, EMBED_DIM), dtype=jnp.float32) * 0.02
    # torch nn.Embedding zeros the padding_idx row at init
    tok_embed = tok_embed.at[TOK_PADDING_IDX].set(0.0)
    pos_embed = jax.random.normal(k3, (GRID_SIZE + 1, EMBED_DIM), dtype=jnp.float32) * 0.02
    pos_embed = pos_embed.at[POS_PADDING_IDX].set(0.0)
    return {"x": x, "tok_embed": tok_embed, "pos_embed": pos_embed}


def reference(x, tok_embed, pos_embed):
    # Hard1DEmbedder.forward with offset=0, tok_padding_idx=0, use_pos_padding=True
    Bx, Nx = x.shape
    pos_indice = jnp.arange(Nx, dtype=x.dtype)  # L = N - offset = N
    # pos_padding_idx is not None branch
    pad_indice = jnp.where(x == TOK_PADDING_IDX, POS_PADDING_IDX, pos_indice[None, :])
    pos = jnp.take(pos_embed, pad_indice, axis=0)  # [B, N, D]
    # offset == 0 -> offset_pos_embed is identity
    # tok_padding_idx is not None branch: remap padded tokens
    tok_pad_indice = pos_indice + (NUM_TOKEN - GRID_SIZE)
    x_remap = jnp.where(x == TOK_PADDING_IDX, tok_pad_indice[None, :], x)
    tok = jnp.take(tok_embed, x_remap, axis=0)  # [B, N, D]
    return tok + pos

if __name__ == "__main__":
    import jax
    _d = setup_inputs()
    print(jax.jit(kernel)(*tuple(_d.values())))

</pallas_src>

<mosaic_0001>
#map = affine_map<(d0, d1) -> (0)>
#map1 = affine_map<(d0, d1) -> (0, 0)>
module attributes {stable_mosaic.version = 14 : i64} {
  func.func @_embed_kernel(%arg0: i32, %arg1: i32, %arg2: memref<819200xi32, #tpu.memory_space<hbm>>, %arg3: memref<100000x64xf32, #tpu.memory_space<hbm>>, %arg4: memref<201x64xf32, #tpu.memory_space<hbm>>, %arg5: memref<819200x64xf32, #tpu.memory_space<hbm>>, %arg6: memref<512xi32, #tpu.memory_space<vmem>>, %arg7: memref<4x128xi32, #tpu.memory_space<vmem>>, %arg8: memref<4x128xi32, #tpu.memory_space<vmem>>, %arg9: memref<512x64xf32, #tpu.memory_space<vmem>>, %arg10: memref<512x64xf32, #tpu.memory_space<vmem>>, %arg11: memref<!tpu.dma_semaphore, #tpu.memory_space<semaphore_mem>>) attributes {dimension_semantics = [#tpu.dimension_semantics<core_parallel>, #tpu.dimension_semantics<subcore_parallel>], iteration_bounds = array<i64: 2, 16>, scalar_prefetch = 0 : i64, scratch_operands = 6 : i64, tpu.core_type = #tpu.core_type<sc_vector_subcore>, window_params = [{transform_indices = #map}, {transform_indices = #map1}, {transform_indices = #map1}, {transform_indices = #map1}]} {
    %mul3A = arith.constant 2 : i32
    %mul3A_0 = arith.muli %arg1, %mul3A : i32
    %add3A = arith.addi %mul3A_0, %arg0 : i32
    %mul3A_1 = arith.constant 25600 : i32
    %mul3A_2 = arith.muli %add3A, %mul3A_1 : i32
    %scan3A = arith.constant 0 : i32
    %scan3A_3 = arith.constant 0 : i32
    %scan3A_4 = arith.constant 50 : i32
    %scan3A_5 = arith.addi %scan3A_3, %scan3A_4 : i32
    %scan3A_6 = arith.constant 1 : i32
    scf.for %scan3A_8 = %scan3A_3 to %scan3A_5 step %scan3A_6  : i32 {
      %mul3A_9 = arith.constant 512 : i32
      %mul3A_10 = arith.muli %scan3A_8, %mul3A_9 : i32
      %add3A_11 = arith.addi %mul3A_2, %mul3A_10 : i32
      "tpu.region"() ({
        %run_scoped3A = tpu.sem_alloc : memref<!tpu.dma_semaphore, #tpu.memory_space<semaphore_mem>>
        %dma_start3A_1224 = tpu.memref_slice %arg2[%add3A_11] : memref<819200xi32, #tpu.memory_space<hbm>> -> memref<512xi32, #tpu.memory_space<hbm>>
        %dma_start3A_1225 = tpu.memref_slice %arg2[%add3A_11] : memref<819200xi32, #tpu.memory_space<hbm>> -> memref<512xi32, #tpu.memory_space<hbm>>
        tpu.enqueue_dma source(%dma_start3A_1225 : memref<512xi32, #tpu.memory_space<hbm>>) target(%arg6 : memref<512xi32, #tpu.memory_space<vmem>>) target_semaphore(%run_scoped3A : memref<!tpu.dma_semaphore, #tpu.memory_space<semaphore_mem>>)
        %dma_wait3A_1226 = tpu.memref_slice %arg2[%add3A_11] : memref<819200xi32, #tpu.memory_space<hbm>> -> memref<512xi32, #tpu.memory_space<hbm>>
        %dma_wait3A_1227 = tpu.memref_slice %arg2[%add3A_11] : memref<819200xi32, #tpu.memory_space<hbm>> -> memref<512xi32, #tpu.memory_space<hbm>>
        tpu.wait_dma2 semaphore(%run_scoped3A : memref<!tpu.dma_semaphore, #tpu.memory_space<semaphore_mem>>) src(%dma_wait3A_1227 : memref<512xi32, #tpu.memory_space<hbm>>) dst(%arg6 : memref<512xi32, #tpu.memory_space<vmem>>)
        tpu.yield
      }) : () -> ()
      %get3A = arith.constant 0 : index
      %get3A_12 = tpu.vector_load %arg6[%get3A] {strides = array<i32>} : memref<512xi32, #tpu.memory_space<vmem>>, vector<16xi32>,
      %get3A_13 = vector.shape_cast %get3A_12 : vector<16xi32> to vector<16xi32>
      %add3A_14 = arith.constant 0 : i32
      %add3A_15 = arith.addi %add3A_11, %add3A_14 : i32
      %iota3A = tpu.iota {dimensions = array<i32: 0>} : vector<16xi32>
      %add3A_16 = vector.broadcast %add3A_15 : i32 to vector<16xi32>
      %add3A_17 = arith.addi %add3A_16, %iota3A : vector<16xi32>
      %rem3A = arith.constant 200 : i32
      %rem3A_18 = vector.broadcast %rem3A : i32 to vector<16xi32>
      %rem3A_19 = arith.remsi %add3A_17, %rem3A_18 : vector<16xi32>
      %eq3A = arith.constant 0 : i32
      %eq3A_20 = vector.broadcast %eq3A : i32 to vector<16xi32>
      %eq3A_21 = arith.cmpi eq, %get3A_13, %eq3A_20 : vector<16xi32>
      %add3A_22 = arith.constant 99800 : i32
      %add3A_23 = vector.broadcast %add3A_22 : i32 to vector<16xi32>
      %add3A_24 = arith.addi %rem3A_19, %add3A_23 : vector<16xi32>
      %select_n3A = arith.select %eq3A_21, %add3A_24, %get3A_13 : vector<16xi1>, vector<16xi32>
      %swap3A = arith.constant 0 : i32
      %swap3A_25 = arith.index_cast %swap3A : i32 to index
      %swap3A_26 = arith.constant 0 : index
      %swap3A_27 = tpu.vector_load %arg7[%swap3A_25, %swap3A_26] {strides = array<i32>} : memref<4x128xi32, #tpu.memory_space<vmem>>, vector<1x16xi32>,
      %swap3A_28 = vector.shape_cast %swap3A_27 : vector<1x16xi32> to vector<16xi32>
      %swap3A_29 = vector.shape_cast %select_n3A : vector<16xi32> to vector<1x16xi32>
      tpu.vector_store %arg7[%swap3A_25, %swap3A_26], %swap3A_29 {strides = array<i32>} : memref<4x128xi32, #tpu.memory_space<vmem>>, vector<1x16xi32>,
      %jit3A = arith.constant 200 : i32
      %broadcast_in_dim3A = vector.broadcast %jit3A : i32 to vector<16xi32>
      %select_n3A_30 = arith.select %eq3A_21, %broadcast_in_dim3A, %rem3A_19 : vector<16xi1>, vector<16xi32>
      %swap3A_31 = arith.constant 0 : i32
      %swap3A_32 = arith.index_cast %swap3A_31 : i32 to index
      %swap3A_33 = arith.constant 0 : index
      %swap3A_34 = tpu.vector_load %arg8[%swap3A_32, %swap3A_33] {strides = array<i32>} : memref<4x128xi32, #tpu.memory_space<vmem>>, vector<1x16xi32>,
      %swap3A_35 = vector.shape_cast %swap3A_34 : vector<1x16xi32> to vector<16xi32>
      %swap3A_36 = vector.shape_cast %select_n3A_30 : vector<16xi32> to vector<1x16xi32>
      tpu.vector_store %arg8[%swap3A_32, %swap3A_33], %swap3A_36 {strides = array<i32>} : memref<4x128xi32, #tpu.memory_space<vmem>>, vector<1x16xi32>,
      %get3A_37 = arith.constant 16 : index
      %get3A_38 = tpu.vector_load %arg6[%get3A_37] {strides = array<i32>} : memref<512xi32, #tpu.memory_space<vmem>>, vector<16xi32>,
      %get3A_39 = vector.shape_cast %get3A_38 : vector<16xi32> to vector<16xi32>
      %add3A_40 = arith.constant 16 : i32
      %add3A_41 = arith.addi %add3A_11, %add3A_40 : i32
      %iota3A_42 = tpu.iota {dimensions = array<i32: 0>} : vector<16xi32>
      %add3A_43 = vector.broadcast %add3A_41 : i32 to vector<16xi32>
      %add3A_44 = arith.addi %add3A_43, %iota3A_42 : vector<16xi32>
      %rem3A_45 = arith.constant 200 : i32
      %rem3A_46 = vector.broadcast %rem3A_45 : i32 to vector<16xi32>
      %rem3A_47 = arith.remsi %add3A_44, %rem3A_46 : vector<16xi32>
      %eq3A_48 = arith.constant 0 : i32
      %eq3A_49 = vector.broadcast %eq3A_48 : i32 to vector<16xi32>
      %eq3A_50 = arith.cmpi eq, %get3A_39, %eq3A_49 : vector<16xi32>
      %add3A_51 = arith.constant 99800 : i32
      %add3A_52 = vector.broadcast %add3A_51 : i32 to vector<16xi32>
      %add3A_53 = arith.addi %rem3A_47, %add3A_52 : vector<16xi32>
      %select_n3A_54 = arith.select %eq3A_50, %add3A_53, %get3A_39 : vector<16xi1>, vector<16xi32>
      %swap3A_55 = arith.constant 0 : i32
      %swap3A_56 = arith.index_cast %swap3A_55 : i32 to index
      %swap3A_57 = arith.constant 16 : index
      %swap3A_58 = tpu.vector_load %arg7[%swap3A_56, %swap3A_57] {strides = array<i32>} : memref<4x128xi32, #tpu.memory_space<vmem>>, vector<1x16xi32>,
      %swap3A_59 = vector.shape_cast %swap3A_58 : vector<1x16xi32> to vector<16xi32>
      %swap3A_60 = vector.shape_cast %select_n3A_54 : vector<16xi32> to vector<1x16xi32>
      tpu.vector_store %arg7[%swap3A_56, %swap3A_57], %swap3A_60 {strides = array<i32>} : memref<4x128xi32, #tpu.memory_space<vmem>>, vector<1x16xi32>,
      %jit3A_61 = arith.constant 200 : i32
      %broadcast_in_dim3A_62 = vector.broadcast %jit3A_61 : i32 to vector<16xi32>
      %select_n3A_63 = arith.select %eq3A_50, %broadcast_in_dim3A_62, %rem3A_47 : vector<16xi1>, vector<16xi32>
      %swap3A_64 = arith.constant 0 : i32
      %swap3A_65 = arith.index_cast %swap3A_64 : i32 to index
      %swap3A_66 = arith.constant 16 : index
      %swap3A_67 = tpu.vector_load %arg8[%swap3A_65, %swap3A_66] {strides = array<i32>} : memref<4x128xi32, #tpu.memory_space<vmem>>, vector<1x16xi32>,
      %swap3A_68 = vector.shape_cast %swap3A_67 : vector<1x16xi32> to vector<16xi32>
      %swap3A_69 = vector.shape_cast %select_n3A_63 : vector<16xi32> to vector<1x16xi32>
      tpu.vector_store %arg8[%swap3A_65, %swap3A_66], %swap3A_69 {strides = array<i32>} : memref<4x128xi32, #tpu.memory_space<vmem>>, vector<1x16xi32>,
      %get3A_70 = arith.constant 32 : index
      %get3A_71 = tpu.vector_load %arg6[%get3A_70] {strides = array<i32>} : memref<512xi32, #tpu.memory_space<vmem>>, vector<16xi32>,
      %get3A_72 = vector.shape_cast %get3A_71 : vector<16xi32> to vector<16xi32>
      %add3A_73 = arith.constant 32 : i32
      %add3A_74 = arith.addi %add3A_11, %add3A_73 : i32
      %iota3A_75 = tpu.iota {dimensions = array<i32: 0>} : vector<16xi32>
      %add3A_76 = vector.broadcast %add3A_74 : i32 to vector<16xi32>
      %add3A_77 = arith.addi %add3A_76, %iota3A_75 : vector<16xi32>
      %rem3A_78 = arith.constant 200 : i32
      %rem3A_79 = vector.broadcast %rem3A_78 : i32 to vector<16xi32>
      %rem3A_80 = arith.remsi %add3A_77, %rem3A_79 : vector<16xi32>
      %eq3A_81 = arith.constant 0 : i32
      %eq3A_82 = vector.broadcast %eq3A_81 : i32 to vector<16xi32>
      %eq3A_83 = arith.cmpi eq, %get3A_72, %eq3A_82 : vector<16xi32>
      %add3A_84 = arith.constant 99800 : i32
      %add3A_85 = vector.broadcast %add3A_84 : i32 to vector<16xi32>
      %add3A_86 = arith.addi %rem3A_80, %add3A_85 : vector<16xi32>
      %select_n3A_87 = arith.select %eq3A_83, %add3A_86, %get3A_72 : vector<16xi1>, vector<16xi32>
      %swap3A_88 = arith.constant 0 : i32
      %swap3A_89 = arith.index_cast %swap3A_88 : i32 to index
      %swap3A_90 = arith.constant 32 : index
      %swap3A_91 = tpu.vector_load %arg7[%swap3A_89, %swap3A_90] {strides = array<i32>} : memref<4x128xi32, #tpu.memory_space<vmem>>, vector<1x16xi32>,
      %swap3A_92 = vector.shape_cast %swap3A_91 : vector<1x16xi32> to vector<16xi32>
      %swap3A_93 = vector.shape_cast %select_n3A_87 : vector<16xi32> to vector<1x16xi32>
      tpu.vector_store %arg7[%swap3A_89, %swap3A_90], %swap3A_93 {strides = array<i32>} : memref<4x128xi32, #tpu.memory_space<vmem>>, vector<1x16xi32>,
      %jit3A_94 = arith.constant 200 : i32
      %broadcast_in_dim3A_95 = vector.broadcast %jit3A_94 : i32 to vector<16xi32>
      %select_n3A_96 = arith.select %eq3A_83, %broadcast_in_dim3A_95, %rem3A_80 : vector<16xi1>, vector<16xi32>
      %swap3A_97 = arith.constant 0 : i32
      %swap3A_98 = arith.index_cast %swap3A_97 : i32 to index
      %swap3A_99 = arith.constant 32 : index
      %swap3A_100 = tpu.vector_load %arg8[%swap3A_98, %swap3A_99] {strides = array<i32>} : memref<4x128xi32, #tpu.memory_space<vmem>>, vector<1x16xi32>,
      %swap3A_101 = vector.shape_cast %swap3A_100 : vector<1x16xi32> to vector<16xi32>
      %swap3A_102 = vector.shape_cast %select_n3A_96 : vector<16xi32> to vector<1x16xi32>
      tpu.vector_store %arg8[%swap3A_98, %swap3A_99], %swap3A_102 {strides = array<i32>} : memref<4x128xi32, #tpu.memory_space<vmem>>, vector<1x16xi32>,
      %get3A_103 = arith.constant 48 : index
      %get3A_104 = tpu.vector_load %arg6[%get3A_103] {strides = array<i32>} : memref<512xi32, #tpu.memory_space<vmem>>, vector<16xi32>,
      %get3A_105 = vector.shape_cast %get3A_104 : vector<16xi32> to vector<16xi32>
      %add3A_106 = arith.constant 48 : i32
      %add3A_107 = arith.addi %add3A_11, %add3A_106 : i32
      %iota3A_108 = tpu.iota {dimensions = array<i32: 0>} : vector<16xi32>
      %add3A_109 = vector.broadcast %add3A_107 : i32 to vector<16xi32>
      %add3A_110 = arith.addi %add3A_109, %iota3A_108 : vector<16xi32>
      %rem3A_111 = arith.constant 200 : i32
      %rem3A_112 = vector.broadcast %rem3A_111 : i32 to vector<16xi32>
      %rem3A_113 = arith.remsi %add3A_110, %rem3A_112 : vector<16xi32>
      %eq3A_114 = arith.constant 0 : i32
      %eq3A_115 = vector.broadcast %eq3A_114 : i32 to vector<16xi32>
      %eq3A_116 = arith.cmpi eq, %get3A_105, %eq3A_115 : vector<16xi32>
      %add3A_117 = arith.constant 99800 : i32
      %add3A_118 = vector.broadcast %add3A_117 : i32 to vector<16xi32>
      %add3A_119 = arith.addi %rem3A_113, %add3A_118 : vector<16xi32>
      %select_n3A_120 = arith.select %eq3A_116, %add3A_119, %get3A_105 : vector<16xi1>, vector<16xi32>
      %swap3A_121 = arith.constant 0 : i32
      %swap3A_122 = arith.index_cast %swap3A_121 : i32 to index
      %swap3A_123 = arith.constant 48 : index
      %swap3A_124 = tpu.vector_load %arg7[%swap3A_122, %swap3A_123] {strides = array<i32>} : memref<4x128xi32, #tpu.memory_space<vmem>>, vector<1x16xi32>,
      %swap3A_125 = vector.shape_cast %swap3A_124 : vector<1x16xi32> to vector<16xi32>
      %swap3A_126 = vector.shape_cast %select_n3A_120 : vector<16xi32> to vector<1x16xi32>
      tpu.vector_store %arg7[%swap3A_122, %swap3A_123], %swap3A_126 {strides = array<i32>} : memref<4x128xi32, #tpu.memory_space<vmem>>, vector<1x16xi32>,
      %jit3A_127 = arith.constant 200 : i32
      %broadcast_in_dim3A_128 = vector.broadcast %jit3A_127 : i32 to vector<16xi32>
      %select_n3A_129 = arith.select %eq3A_116, %broadcast_in_dim3A_128, %rem3A_113 : vector<16xi1>, vector<16xi32>
      %swap3A_130 = arith.constant 0 : i32
      %swap3A_131 = arith.index_cast %swap3A_130 : i32 to index
      %swap3A_132 = arith.constant 48 : index
      %swap3A_133 = tpu.vector_load %arg8[%swap3A_131, %swap3A_132] {strides = array<i32>} : memref<4x128xi32, #tpu.memory_space<vmem>>, vector<1x16xi32>,
      %swap3A_134 = vector.shape_cast %swap3A_133 : vector<1x16xi32> to vector<16xi32>
      %swap3A_135 = vector.shape_cast %select_n3A_129 : vector<16xi32> to vector<1x16xi32>
      tpu.vector_store %arg8[%swap3A_131, %swap3A_132], %swap3A_135 {strides = array<i32>} : memref<4x128xi32, #tpu.memory_space<vmem>>, vector<1x16xi32>,
      %get3A_136 = arith.constant 64 : index
      %get3A_137 = tpu.vector_load %arg6[%get3A_136] {strides = array<i32>} : memref<512xi32, #tpu.memory_space<vmem>>, vector<16xi32>,
      %get3A_138 = vector.shape_cast %get3A_137 : vector<16xi32> to vector<16xi32>
      %add3A_139 = arith.constant 64 : i32
      %add3A_140 = arith.addi %add3A_11, %add3A_139 : i32
      %iota3A_141 = tpu.iota {dimensions = array<i32: 0>} : vector<16xi32>
      %add3A_142 = vector.broadcast %add3A_140 : i32 to vector<16xi32>
      %add3A_143 = arith.addi %add3A_142, %iota3A_141 : vector<16xi32>
      %rem3A_144 = arith.constant 200 : i32
      %rem3A_145 = vector.broadcast %rem3A_144 : i32 to vector<16xi32>
      %rem3A_146 = arith.remsi %add3A_143, %rem3A_145 : vector<16xi32>
      %eq3A_147 = arith.constant 0 : i32
      %eq3A_148 = vector.broadcast %eq3A_147 : i32 to vector<16xi32>
      %eq3A_149 = arith.cmpi eq, %get3A_138, %eq3A_148 : vector<16xi32>
      %add3A_150 = arith.constant 99800 : i32
      %add3A_151 = vector.broadcast %add3A_150 : i32 to vector<16xi32>
      %add3A_152 = arith.addi %rem3A_146, %add3A_151 : vector<16xi32>
      %select_n3A_153 = arith.select %eq3A_149, %add3A_152, %get3A_138 : vector<16xi1>, vector<16xi32>
      %swap3A_154 = arith.constant 0 : i32
      %swap3A_155 = arith.index_cast %swap3A_154 : i32 to index
      %swap3A_156 = arith.constant 64 : index
      %swap3A_157 = tpu.vector_load %arg7[%swap3A_155, %swap3A_156] {strides = array<i32>} : memref<4x128xi32, #tpu.memory_space<vmem>>, vector<1x16xi32>,
      %swap3A_158 = vector.shape_cast %swap3A_157 : vector<1x16xi32> to vector<16xi32>
      %swap3A_159 = vector.shape_cast %select_n3A_153 : vector<16xi32> to vector<1x16xi32>
      tpu.vector_store %arg7[%swap3A_155, %swap3A_156], %swap3A_159 {strides = array<i32>} : memref<4x128xi32, #tpu.memory_space<vmem>>, vector<1x16xi32>,
      %jit3A_160 = arith.constant 200 : i32
      %broadcast_in_dim3A_161 = vector.broadcast %jit3A_160 : i32 to vector<16xi32>
      %select_n3A_162 = arith.select %eq3A_149, %broadcast_in_dim3A_161, %rem3A_146 : vector<16xi1>, vector<16xi32>
      %swap3A_163 = arith.constant 0 : i32
      %swap3A_164 = arith.index_cast %swap3A_163 : i32 to index
      %swap3A_165 = arith.constant 64 : index
      %swap3A_166 = tpu.vector_load %arg8[%swap3A_164, %swap3A_165] {strides = array<i32>} : memref<4x128xi32, #tpu.memory_space<vmem>>, vector<1x16xi32>,
      %swap3A_167 = vector.shape_cast %swap3A_166 : vector<1x16xi32> to vector<16xi32>
      %swap3A_168 = vector.shape_cast %select_n3A_162 : vector<16xi32> to vector<1x16xi32>
      tpu.vector_store %arg8[%swap3A_164, %swap3A_165], %swap3A_168 {strides = array<i32>} : memref<4x128xi32, #tpu.memory_space<vmem>>, vector<1x16xi32>,
      %get3A_169 = arith.constant 80 : index
      %get3A_170 = tpu.vector_load %arg6[%get3A_169] {strides = array<i32>} : memref<512xi32, #tpu.memory_space<vmem>>, vector<16xi32>,
      %get3A_171 = vector.shape_cast %get3A_170 : vector<16xi32> to vector<16xi32>
      %add3A_172 = arith.constant 80 : i32
      %add3A_173 = arith.addi %add3A_11, %add3A_172 : i32
      %iota3A_174 = tpu.iota {dimensions = array<i32: 0>} : vector<16xi32>
      %add3A_175 = vector.broadcast %add3A_173 : i32 to vector<16xi32>
      %add3A_176 = arith.addi %add3A_175, %iota3A_174 : vector<16xi32>
      %rem3A_177 = arith.constant 200 : i32
      %rem3A_178 = vector.broadcast %rem3A_177 : i32 to vector<16xi32>
      %rem3A_179 = arith.remsi %add3A_176, %rem3A_178 : vector<16xi32>
      %eq3A_180 = arith.constant 0 : i32
      %eq3A_181 = vector.broadcast %eq3A_180 : i32 to vector<16xi32>
      %eq3A_182 = arith.cmpi eq, %get3A_171, %eq3A_181 : vector<16xi32>
      %add3A_183 = arith.constant 99800 : i32
      %add3A_184 = vector.broadcast %add3A_183 : i32 to vector<16xi32>
      %add3A_185 = arith.addi %rem3A_179, %add3A_184 : vector<16xi32>
      %select_n3A_186 = arith.select %eq3A_182, %add3A_185, %get3A_171 : vector<16xi1>, vector<16xi32>
      %swap3A_187 = arith.constant 0 : i32
      %swap3A_188 = arith.index_cast %swap3A_187 : i32 to index
      %swap3A_189 = arith.constant 80 : index
      %swap3A_190 = tpu.vector_load %arg7[%swap3A_188, %swap3A_189] {strides = array<i32>} : memref<4x128xi32, #tpu.memory_space<vmem>>, vector<1x16xi32>,
      %swap3A_191 = vector.shape_cast %swap3A_190 : vector<1x16xi32> to vector<16xi32>
      %swap3A_192 = vector.shape_cast %select_n3A_186 : vector<16xi32> to vector<1x16xi32>
      tpu.vector_store %arg7[%swap3A_188, %swap3A_189], %swap3A_192 {strides = array<i32>} : memref<4x128xi32, #tpu.memory_space<vmem>>, vector<1x16xi32>,
      %jit3A_193 = arith.constant 200 : i32
      %broadcast_in_dim3A_194 = vector.broadcast %jit3A_193 : i32 to vector<16xi32>
      %select_n3A_195 = arith.select %eq3A_182, %broadcast_in_dim3A_194, %rem3A_179 : vector<16xi1>, vector<16xi32>
      %swap3A_196 = arith.constant 0 : i32
      %swap3A_197 = arith.index_cast %swap3A_196 : i32 to index
      %swap3A_198 = arith.constant 80 : index
      %swap3A_199 = tpu.vector_load %arg8[%swap3A_197, %swap3A_198] {strides = array<i32>} : memref<4x128xi32, #tpu.memory_space<vmem>>, vector<1x16xi32>,
      %swap3A_200 = vector.shape_cast %swap3A_199 : vector<1x16xi32> to vector<16xi32>
      %swap3A_201 = vector.shape_cast %select_n3A_195 : vector<16xi32> to vector<1x16xi32>
      tpu.vector_store %arg8[%swap3A_197, %swap3A_198], %swap3A_201 {strides = array<i32>} : memref<4x128xi32, #tpu.memory_space<vmem>>, vector<1x16xi32>,
      %get3A_202 = arith.constant 96 : index
      %get3A_203 = tpu.vector_load %arg6[%get3A_202] {strides = array<i32>} : memref<512xi32, #tpu.memory_space<vmem>>, vector<16xi32>,
      %get3A_204 = vector.shape_cast %get3A_203 : vector<16xi32> to vector<16xi32>
      %add3A_205 = arith.constant 96 : i32
      %add3A_206 = arith.addi %add3A_11, %add3A_205 : i32
      %iota3A_207 = tpu.iota {dimensions = array<i32: 0>} : vector<16xi32>
      %add3A_208 = vector.broadcast %add3A_206 : i32 to vector<16xi32>
      %add3A_209 = arith.addi %add3A_208, %iota3A_207 : vector<16xi32>
      %rem3A_210 = arith.constant 200 : i32
      %rem3A_211 = vector.broadcast %rem3A_210 : i32 to vector<16xi32>
      %rem3A_212 = arith.remsi %add3A_209, %rem3A_211 : vector<16xi32>
      %eq3A_213 = arith.constant 0 : i32
      %eq3A_214 = vector.broadcast %eq3A_213 : i32 to vector<16xi32>
      %eq3A_215 = arith.cmpi eq, %get3A_204, %eq3A_214 : vector<16xi32>
      %add3A_216 = arith.constant 99800 : i32
      %add3A_217 = vector.broadcast %add3A_216 : i32 to vector<16xi32>
      %add3A_218 = arith.addi %rem3A_212, %add3A_217 : vector<16xi32>
      %select_n3A_219 = arith.select %eq3A_215, %add3A_218, %get3A_204 : vector<16xi1>, vector<16xi32>
      %swap3A_220 = arith.constant 0 : i32
      %swap3A_221 = arith.index_cast %swap3A_220 : i32 to index
      %swap3A_222 = arith.constant 96 : index
      %swap3A_223 = tpu.vector_load %arg7[%swap3A_221, %swap3A_222] {strides = array<i32>} : memref<4x128xi32, #tpu.memory_space<vmem>>, vector<1x16xi32>,
      %swap3A_224 = vector.shape_cast %swap3A_223 : vector<1x16xi32> to vector<16xi32>
      %swap3A_225 = vector.shape_cast %select_n3A_219 : vector<16xi32> to vector<1x16xi32>
      tpu.vector_store %arg7[%swap3A_221, %swap3A_222], %swap3A_225 {strides = array<i32>} : memref<4x128xi32, #tpu.memory_space<vmem>>, vector<1x16xi32>,
      %jit3A_226 = arith.constant 200 : i32
      %broadcast_in_dim3A_227 = vector.broadcast %jit3A_226 : i32 to vector<16xi32>
      %select_n3A_228 = arith.select %eq3A_215, %broadcast_in_dim3A_227, %rem3A_212 : vector<16xi1>, vector<16xi32>
      %swap3A_229 = arith.constant 0 : i32
      %swap3A_230 = arith.index_cast %swap3A_229 : i32 to index
      %swap3A_231 = arith.constant 96 : index
      %swap3A_232 = tpu.vector_load %arg8[%swap3A_230, %swap3A_231] {strides = array<i32>} : memref<4x128xi32, #tpu.memory_space<vmem>>, vector<1x16xi32>,
      %swap3A_233 = vector.shape_cast %swap3A_232 : vector<1x16xi32> to vector<16xi32>
      %swap3A_234 = vector.shape_cast %select_n3A_228 : vector<16xi32> to vector<1x16xi32>
      tpu.vector_store %arg8[%swap3A_230, %swap3A_231], %swap3A_234 {strides = array<i32>} : memref<4x128xi32, #tpu.memory_space<vmem>>, vector<1x16xi32>,
      %get3A_235 = arith.constant 112 : index
      %get3A_236 = tpu.vector_load %arg6[%get3A_235] {strides = array<i32>} : memref<512xi32, #tpu.memory_space<vmem>>, vector<16xi32>,
      %get3A_237 = vector.shape_cast %get3A_236 : vector<16xi32> to vector<16xi32>
      %add3A_238 = arith.constant 112 : i32
      %add3A_239 = arith.addi %add3A_11, %add3A_238 : i32
      %iota3A_240 = tpu.iota {dimensions = array<i32: 0>} : vector<16xi32>
      %add3A_241 = vector.broadcast %add3A_239 : i32 to vector<16xi32>
      %add3A_242 = arith.addi %add3A_241, %iota3A_240 : vector<16xi32>
      %rem3A_243 = arith.constant 200 : i32
      %rem3A_244 = vector.broadcast %rem3A_243 : i32 to vector<16xi32>
      %rem3A_245 = arith.remsi %add3A_242, %rem3A_244 : vector<16xi32>
      %eq3A_246 = arith.constant 0 : i32
      %eq3A_247 = vector.broadcast %eq3A_246 : i32 to vector<16xi32>
      %eq3A_248 = arith.cmpi eq, %get3A_237, %eq3A_247 : vector<16xi32>
      %add3A_249 = arith.constant 99800 : i32
      %add3A_250 = vector.broadcast %add3A_249 : i32 to vector<16xi32>
      %add3A_251 = arith.addi %rem3A_245, %add3A_250 : vector<16xi32>
      %select_n3A_252 = arith.select %eq3A_248, %add3A_251, %get3A_237 : vector<16xi1>, vector<16xi32>
      %swap3A_253 = arith.constant 0 : i32
      %swap3A_254 = arith.index_cast %swap3A_253 : i32 to index
      %swap3A_255 = arith.constant 112 : index
      %swap3A_256 = tpu.vector_load %arg7[%swap3A_254, %swap3A_255] {strides = array<i32>} : memref<4x128xi32, #tpu.memory_space<vmem>>, vector<1x16xi32>,
      %swap3A_257 = vector.shape_cast %swap3A_256 : vector<1x16xi32> to vector<16xi32>
      %swap3A_258 = vector.shape_cast %select_n3A_252 : vector<16xi32> to vector<1x16xi32>
      tpu.vector_store %arg7[%swap3A_254, %swap3A_255], %swap3A_258 {strides = array<i32>} : memref<4x128xi32, #tpu.memory_space<vmem>>, vector<1x16xi32>,
      %jit3A_259 = arith.constant 200 : i32
      %broadcast_in_dim3A_260 = vector.broadcast %jit3A_259 : i32 to vector<16xi32>
      %select_n3A_261 = arith.select %eq3A_248, %broadcast_in_dim3A_260, %rem3A_245 : vector<16xi1>, vector<16xi32>
      %swap3A_262 = arith.constant 0 : i32
      %swap3A_263 = arith.index_cast %swap3A_262 : i32 to index
      %swap3A_264 = arith.constant 112 : index
      %swap3A_265 = tpu.vector_load %arg8[%swap3A_263, %swap3A_264] {strides = array<i32>} : memref<4x128xi32, #tpu.memory_space<vmem>>, vector<1x16xi32>,
      %swap3A_266 = vector.shape_cast %swap3A_265 : vector<1x16xi32> to vector<16xi32>
      %swap3A_267 = vector.shape_cast %select_n3A_261 : vector<16xi32> to vector<1x16xi32>
      tpu.vector_store %arg8[%swap3A_263, %swap3A_264], %swap3A_267 {strides = array<i32>} : memref<4x128xi32, #tpu.memory_space<vmem>>, vector<1x16xi32>,
      %get3A_268 = arith.constant 128 : index
      %get3A_269 = tpu.vector_load %arg6[%get3A_268] {strides = array<i32>} : memref<512xi32, #tpu.memory_space<vmem>>, vector<16xi32>,
      %get3A_270 = vector.shape_cast %get3A_269 : vector<16xi32> to vector<16xi32>
      %add3A_271 = arith.constant 128 : i32
      %add3A_272 = arith.addi %add3A_11, %add3A_271 : i32
      %iota3A_273 = tpu.iota {dimensions = array<i32: 0>} : vector<16xi32>
      %add3A_274 = vector.broadcast %add3A_272 : i32 to vector<16xi32>
      %add3A_275 = arith.addi %add3A_274, %iota3A_273 : vector<16xi32>
      %rem3A_276 = arith.constant 200 : i32
      %rem3A_277 = vector.broadcast %rem3A_276 : i32 to vector<16xi32>
      %rem3A_278 = arith.remsi %add3A_275, %rem3A_277 : vector<16xi32>
      %eq3A_279 = arith.constant 0 : i32
      %eq3A_280 = vector.broadcast %eq3A_279 : i32 to vector<16xi32>
      %eq3A_281 = arith.cmpi eq, %get3A_270, %eq3A_280 : vector<16xi32>
      %add3A_282 = arith.constant 99800 : i32
      %add3A_283 = vector.broadcast %add3A_282 : i32 to vector<16xi32>
      %add3A_284 = arith.addi %rem3A_278, %add3A_283 : vector<16xi32>
      %select_n3A_285 = arith.select %eq3A_281, %add3A_284, %get3A_270 : vector<16xi1>, vector<16xi32>
      %swap3A_286 = arith.constant 1 : i32
      %swap3A_287 = arith.index_cast %swap3A_286 : i32 to index
      %swap3A_288 = arith.constant 0 : index
      %swap3A_289 = tpu.vector_load %arg7[%swap3A_287, %swap3A_288] {strides = array<i32>} : memref<4x128xi32, #tpu.memory_space<vmem>>, vector<1x16xi32>,
      %swap3A_290 = vector.shape_cast %swap3A_289 : vector<1x16xi32> to vector<16xi32>
      %swap3A_291 = vector.shape_cast %select_n3A_285 : vector<16xi32> to vector<1x16xi32>
      tpu.vector_store %arg7[%swap3A_287, %swap3A_288], %swap3A_291 {strides = array<i32>} : memref<4x128xi32, #tpu.memory_space<vmem>>, vector<1x16xi32>,
      %jit3A_292 = arith.constant 200 : i32
      %broadcast_in_dim3A_293 = vector.broadcast %jit3A_292 : i32 to vector<16xi32>
      %select_n3A_294 = arith.select %eq3A_281, %broadcast_in_dim3A_293, %rem3A_278 : vector<16xi1>, vector<16xi32>
      %swap3A_295 = arith.constant 1 : i32
      %swap3A_296 = arith.index_cast %swap3A_295 : i32 to index
      %swap3A_297 = arith.constant 0 : index
      %swap3A_298 = tpu.vector_load %arg8[%swap3A_296, %swap3A_297] {strides = array<i32>} : memref<4x128xi32, #tpu.memory_space<vmem>>, vector<1x16xi32>,
      %swap3A_299 = vector.shape_cast %swap3A_298 : vector<1x16xi32> to vector<16xi32>
      %swap3A_300 = vector.shape_cast %select_n3A_294 : vector<16xi32> to vector<1x16xi32>
      tpu.vector_store %arg8[%swap3A_296, %swap3A_297], %swap3A_300 {strides = array<i32>} : memref<4x128xi32, #tpu.memory_space<vmem>>, vector<1x16xi32>,
      %get3A_301 = arith.constant 144 : index
      %get3A_302 = tpu.vector_load %arg6[%get3A_301] {strides = array<i32>} : memref<512xi32, #tpu.memory_space<vmem>>, vector<16xi32>,
      %get3A_303 = vector.shape_cast %get3A_302 : vector<16xi32> to vector<16xi32>
      %add3A_304 = arith.constant 144 : i32
      %add3A_305 = arith.addi %add3A_11, %add3A_304 : i32
      %iota3A_306 = tpu.iota {dimensions = array<i32: 0>} : vector<16xi32>
      %add3A_307 = vector.broadcast %add3A_305 : i32 to vector<16xi32>
      %add3A_308 = arith.addi %add3A_307, %iota3A_306 : vector<16xi32>
      %rem3A_309 = arith.constant 200 : i32
      %rem3A_310 = vector.broadcast %rem3A_309 : i32 to vector<16xi32>
      %rem3A_311 = arith.remsi %add3A_308, %rem3A_310 : vector<16xi32>
      %eq3A_312 = arith.constant 0 : i32
      %eq3A_313 = vector.broadcast %eq3A_312 : i32 to vector<16xi32>
      %eq3A_314 = arith.cmpi eq, %get3A_303, %eq3A_313 : vector<16xi32>
      %add3A_315 = arith.constant 99800 : i32
      %add3A_316 = vector.broadcast %add3A_315 : i32 to vector<16xi32>
      %add3A_317 = arith.addi %rem3A_311, %add3A_316 : vector<16xi32>
      %select_n3A_318 = arith.select %eq3A_314, %add3A_317, %get3A_303 : vector<16xi1>, vector<16xi32>
      %swap3A_319 = arith.constant 1 : i32
      %swap3A_320 = arith.index_cast %swap3A_319 : i32 to index
      %swap3A_321 = arith.constant 16 : index
      %swap3A_322 = tpu.vector_load %arg7[%swap3A_320, %swap3A_321] {strides = array<i32>} : memref<4x128xi32, #tpu.memory_space<vmem>>, vector<1x16xi32>,
      %swap3A_323 = vector.shape_cast %swap3A_322 : vector<1x16xi32> to vector<16xi32>
      %swap3A_324 = vector.shape_cast %select_n3A_318 : vector<16xi32> to vector<1x16xi32>
      tpu.vector_store %arg7[%swap3A_320, %swap3A_321], %swap3A_324 {strides = array<i32>} : memref<4x128xi32, #tpu.memory_space<vmem>>, vector<1x16xi32>,
      %jit3A_325 = arith.constant 200 : i32
      %broadcast_in_dim3A_326 = vector.broadcast %jit3A_325 : i32 to vector<16xi32>
      %select_n3A_327 = arith.select %eq3A_314, %broadcast_in_dim3A_326, %rem3A_311 : vector<16xi1>, vector<16xi32>
      %swap3A_328 = arith.constant 1 : i32
      %swap3A_329 = arith.index_cast %swap3A_328 : i32 to index
      %swap3A_330 = arith.constant 16 : index
      %swap3A_331 = tpu.vector_load %arg8[%swap3A_329, %swap3A_330] {strides = array<i32>} : memref<4x128xi32, #tpu.memory_space<vmem>>, vector<1x16xi32>,
      %swap3A_332 = vector.shape_cast %swap3A_331 : vector<1x16xi32> to vector<16xi32>
      %swap3A_333 = vector.shape_cast %select_n3A_327 : vector<16xi32> to vector<1x16xi32>
      tpu.vector_store %arg8[%swap3A_329, %swap3A_330], %swap3A_333 {strides = array<i32>} : memref<4x128xi32, #tpu.memory_space<vmem>>, vector<1x16xi32>,
      %get3A_334 = arith.constant 160 : index
      %get3A_335 = tpu.vector_load %arg6[%get3A_334] {strides = array<i32>} : memref<512xi32, #tpu.memory_space<vmem>>, vector<16xi32>,
      %get3A_336 = vector.shape_cast %get3A_335 : vector<16xi32> to vector<16xi32>
      %add3A_337 = arith.constant 160 : i32
      %add3A_338 = arith.addi %add3A_11, %add3A_337 : i32
      %iota3A_339 = tpu.iota {dimensions = array<i32: 0>} : vector<16xi32>
      %add3A_340 = vector.broadcast %add3A_338 : i32 to vector<16xi32>
      %add3A_341 = arith.addi %add3A_340, %iota3A_339 : vector<16xi32>
      %rem3A_342 = arith.constant 200 : i32
      %rem3A_343 = vector.broadcast %rem3A_342 : i32 to vector<16xi32>
      %rem3A_344 = arith.remsi %add3A_341, %rem3A_343 : vector<16xi32>
      %eq3A_345 = arith.constant 0 : i32
      %eq3A_346 = vector.broadcast %eq3A_345 : i32 to vector<16xi32>
      %eq3A_347 = arith.cmpi eq, %get3A_336, %eq3A_346 : vector<16xi32>
      %add3A_348 = arith.constant 99800 : i32
      %add3A_349 = vector.broadcast %add3A_348 : i32 to vector<16xi32>
      %add3A_350 = arith.addi %rem3A_344, %add3A_349 : vector<16xi32>
      %select_n3A_351 = arith.select %eq3A_347, %add3A_350, %get3A_336 : vector<16xi1>, vector<16xi32>
      %swap3A_352 = arith.constant 1 : i32
      %swap3A_353 = arith.index_cast %swap3A_352 : i32 to index
      %swap3A_354 = arith.constant 32 : index
      %swap3A_355 = tpu.vector_load %arg7[%swap3A_353, %swap3A_354] {strides = array<i32>} : memref<4x128xi32, #tpu.memory_space<vmem>>, vector<1x16xi32>,
      %swap3A_356 = vector.shape_cast %swap3A_355 : vector<1x16xi32> to vector<16xi32>
      %swap3A_357 = vector.shape_cast %select_n3A_351 : vector<16xi32> to vector<1x16xi32>
      tpu.vector_store %arg7[%swap3A_353, %swap3A_354], %swap3A_357 {strides = array<i32>} : memref<4x128xi32, #tpu.memory_space<vmem>>, vector<1x16xi32>,
      %jit3A_358 = arith.constant 200 : i32
      %broadcast_in_dim3A_359 = vector.broadcast %jit3A_358 : i32 to vector<16xi32>
      %select_n3A_360 = arith.select %eq3A_347, %broadcast_in_dim3A_359, %rem3A_344 : vector<16xi1>, vector<16xi32>
      %swap3A_361 = arith.constant 1 : i32
      %swap3A_362 = arith.index_cast %swap3A_361 : i32 to index
      %swap3A_363 = arith.constant 32 : index
      %swap3A_364 = tpu.vector_load %arg8[%swap3A_362, %swap3A_363] {strides = array<i32>} : memref<4x128xi32, #tpu.memory_space<vmem>>, vector<1x16xi32>,
      %swap3A_365 = vector.shape_cast %swap3A_364 : vector<1x16xi32> to vector<16xi32>
      %swap3A_366 = vector.shape_cast %select_n3A_360 : vector<16xi32> to vector<1x16xi32>
      tpu.vector_store %arg8[%swap3A_362, %swap3A_363], %swap3A_366 {strides = array<i32>} : memref<4x128xi32, #tpu.memory_space<vmem>>, vector<1x16xi32>,
      %get3A_367 = arith.constant 176 : index
      %get3A_368 = tpu.vector_load %arg6[%get3A_367] {strides = array<i32>} : memref<512xi32, #tpu.memory_space<vmem>>, vector<16xi32>,
      %get3A_369 = vector.shape_cast %get3A_368 : vector<16xi32> to vector<16xi32>
      %add3A_370 = arith.constant 176 : i32
      %add3A_371 = arith.addi %add3A_11, %add3A_370 : i32
      %iota3A_372 = tpu.iota {dimensions = array<i32: 0>} : vector<16xi32>
      %add3A_373 = vector.broadcast %add3A_371 : i32 to vector<16xi32>
      %add3A_374 = arith.addi %add3A_373, %iota3A_372 : vector<16xi32>
      %rem3A_375 = arith.constant 200 : i32
      %rem3A_376 = vector.broadcast %rem3A_375 : i32 to vector<16xi32>
      %rem3A_377 = arith.remsi %add3A_374, %rem3A_376 : vector<16xi32>
      %eq3A_378 = arith.constant 0 : i32
      %eq3A_379 = vector.broadcast %eq3A_378 : i32 to vector<16xi32>
      %eq3A_380 = arith.cmpi eq, %get3A_369, %eq3A_379 : vector<16xi32>
      %add3A_381 = arith.constant 99800 : i32
      %add3A_382 = vector.broadcast %add3A_381 : i32 to vector<16xi32>
      %add3A_383 = arith.addi %rem3A_377, %add3A_382 : vector<16xi32>
      %select_n3A_384 = arith.select %eq3A_380, %add3A_383, %get3A_369 : vector<16xi1>, vector<16xi32>
      %swap3A_385 = arith.constant 1 : i32
      %swap3A_386 = arith.index_cast %swap3A_385 : i32 to index
      %swap3A_387 = arith.constant 48 : index
      %swap3A_388 = tpu.vector_load %arg7[%swap3A_386, %swap3A_387] {strides = array<i32>} : memref<4x128xi32, #tpu.memory_space<vmem>>, vector<1x16xi32>,
      %swap3A_389 = vector.shape_cast %swap3A_388 : vector<1x16xi32> to vector<16xi32>
      %swap3A_390 = vector.shape_cast %select_n3A_384 : vector<16xi32> to vector<1x16xi32>
      tpu.vector_store %arg7[%swap3A_386, %swap3A_387], %swap3A_390 {strides = array<i32>} : memref<4x128xi32, #tpu.memory_space<vmem>>, vector<1x16xi32>,
      %jit3A_391 = arith.constant 200 : i32
      %broadcast_in_dim3A_392 = vector.broadcast %jit3A_391 : i32 to vector<16xi32>
      %select_n3A_393 = arith.select %eq3A_380, %broadcast_in_dim3A_392, %rem3A_377 : vector<16xi1>, vector<16xi32>
      %swap3A_394 = arith.constant 1 : i32
      %swap3A_395 = arith.index_cast %swap3A_394 : i32 to index
      %swap3A_396 = arith.constant 48 : index
      %swap3A_397 = tpu.vector_load %arg8[%swap3A_395, %swap3A_396] {strides = array<i32>} : memref<4x128xi32, #tpu.memory_space<vmem>>, vector<1x16xi32>,
      %swap3A_398 = vector.shape_cast %swap3A_397 : vector<1x16xi32> to vector<16xi32>
      %swap3A_399 = vector.shape_cast %select_n3A_393 : vector<16xi32> to vector<1x16xi32>
      tpu.vector_store %arg8[%swap3A_395, %swap3A_396], %swap3A_399 {strides = array<i32>} : memref<4x128xi32, #tpu.memory_space<vmem>>, vector<1x16xi32>,
      %get3A_400 = arith.constant 192 : index
      %get3A_401 = tpu.vector_load %arg6[%get3A_400] {strides = array<i32>} : memref<512xi32, #tpu.memory_space<vmem>>, vector<16xi32>,
      %get3A_402 = vector.shape_cast %get3A_401 : vector<16xi32> to vector<16xi32>
      %add3A_403 = arith.constant 192 : i32
      %add3A_404 = arith.addi %add3A_11, %add3A_403 : i32
      %iota3A_405 = tpu.iota {dimensions = array<i32: 0>} : vector<16xi32>
      %add3A_406 = vector.broadcast %add3A_404 : i32 to vector<16xi32>
      %add3A_407 = arith.addi %add3A_406, %iota3A_405 : vector<16xi32>
      %rem3A_408 = arith.constant 200 : i32
      %rem3A_409 = vector.broadcast %rem3A_408 : i32 to vector<16xi32>
      %rem3A_410 = arith.remsi %add3A_407, %rem3A_409 : vector<16xi32>
      %eq3A_411 = arith.constant 0 : i32
      %eq3A_412 = vector.broadcast %eq3A_411 : i32 to vector<16xi32>
      %eq3A_413 = arith.cmpi eq, %get3A_402, %eq3A_412 : vector<16xi32>
      %add3A_414 = arith.constant 99800 : i32
      %add3A_415 = vector.broadcast %add3A_414 : i32 to vector<16xi32>
      %add3A_416 = arith.addi %rem3A_410, %add3A_415 : vector<16xi32>
      %select_n3A_417 = arith.select %eq3A_413, %add3A_416, %get3A_402 : vector<16xi1>, vector<16xi32>
      %swap3A_418 = arith.constant 1 : i32
      %swap3A_419 = arith.index_cast %swap3A_418 : i32 to index
      %swap3A_420 = arith.constant 64 : index
      %swap3A_421 = tpu.vector_load %arg7[%swap3A_419, %swap3A_420] {strides = array<i32>} : memref<4x128xi32, #tpu.memory_space<vmem>>, vector<1x16xi32>,
      %swap3A_422 = vector.shape_cast %swap3A_421 : vector<1x16xi32> to vector<16xi32>
      %swap3A_423 = vector.shape_cast %select_n3A_417 : vector<16xi32> to vector<1x16xi32>
      tpu.vector_store %arg7[%swap3A_419, %swap3A_420], %swap3A_423 {strides = array<i32>} : memref<4x128xi32, #tpu.memory_space<vmem>>, vector<1x16xi32>,
      %jit3A_424 = arith.constant 200 : i32
      %broadcast_in_dim3A_425 = vector.broadcast %jit3A_424 : i32 to vector<16xi32>
      %select_n3A_426 = arith.select %eq3A_413, %broadcast_in_dim3A_425, %rem3A_410 : vector<16xi1>, vector<16xi32>
      %swap3A_427 = arith.constant 1 : i32
      %swap3A_428 = arith.index_cast %swap3A_427 : i32 to index
      %swap3A_429 = arith.constant 64 : index
      %swap3A_430 = tpu.vector_load %arg8[%swap3A_428, %swap3A_429] {strides = array<i32>} : memref<4x128xi32, #tpu.memory_space<vmem>>, vector<1x16xi32>,
      %swap3A_431 = vector.shape_cast %swap3A_430 : vector<1x16xi32> to vector<16xi32>
      %swap3A_432 = vector.shape_cast %select_n3A_426 : vector<16xi32> to vector<1x16xi32>
      tpu.vector_store %arg8[%swap3A_428, %swap3A_429], %swap3A_432 {strides = array<i32>} : memref<4x128xi32, #tpu.memory_space<vmem>>, vector<1x16xi32>,
      %get3A_433 = arith.constant 208 : index
      %get3A_434 = tpu.vector_load %arg6[%get3A_433] {strides = array<i32>} : memref<512xi32, #tpu.memory_space<vmem>>, vector<16xi32>,
      %get3A_435 = vector.shape_cast %get3A_434 : vector<16xi32> to vector<16xi32>
      %add3A_436 = arith.constant 208 : i32
      %add3A_437 = arith.addi %add3A_11, %add3A_436 : i32
      %iota3A_438 = tpu.iota {dimensions = array<i32: 0>} : vector<16xi32>
      %add3A_439 = vector.broadcast %add3A_437 : i32 to vector<16xi32>
      %add3A_440 = arith.addi %add3A_439, %iota3A_438 : vector<16xi32>
      %rem3A_441 = arith.constant 200 : i32
      %rem3A_442 = vector.broadcast %rem3A_441 : i32 to vector<16xi32>
      %rem3A_443 = arith.remsi %add3A_440, %rem3A_442 : vector<16xi32>
      %eq3A_444 = arith.constant 0 : i32
      %eq3A_445 = vector.broadcast %eq3A_444 : i32 to vector<16xi32>
      %eq3A_446 = arith.cmpi eq, %get3A_435, %eq3A_445 : vector<16xi32>
      %add3A_447 = arith.constant 99800 : i32
      %add3A_448 = vector.broadcast %add3A_447 : i32 to vector<16xi32>
      %add3A_449 = arith.addi %rem3A_443, %add3A_448 : vector<16xi32>
      %select_n3A_450 = arith.select %eq3A_446, %add3A_449, %get3A_435 : vector<16xi1>, vector<16xi32>
      %swap3A_451 = arith.constant 1 : i32
      %swap3A_452 = arith.index_cast %swap3A_451 : i32 to index
      %swap3A_453 = arith.constant 80 : index
      %swap3A_454 = tpu.vector_load %arg7[%swap3A_452, %swap3A_453] {strides = array<i32>} : memref<4x128xi32, #tpu.memory_space<vmem>>, vector<1x16xi32>,
      %swap3A_455 = vector.shape_cast %swap3A_454 : vector<1x16xi32> to vector<16xi32>
      %swap3A_456 = vector.shape_cast %select_n3A_450 : vector<16xi32> to vector<1x16xi32>
      tpu.vector_store %arg7[%swap3A_452, %swap3A_453], %swap3A_456 {strides = array<i32>} : memref<4x128xi32, #tpu.memory_space<vmem>>, vector<1x16xi32>,
      %jit3A_457 = arith.constant 200 : i32
      %broadcast_in_dim3A_458 = vector.broadcast %jit3A_457 : i32 to vector<16xi32>
      %select_n3A_459 = arith.select %eq3A_446, %broadcast_in_dim3A_458, %rem3A_443 : vector<16xi1>, vector<16xi32>
      %swap3A_460 = arith.constant 1 : i32
      %swap3A_461 = arith.index_cast %swap3A_460 : i32 to index
      %swap3A_462 = arith.constant 80 : index
      %swap3A_463 = tpu.vector_load %arg8[%swap3A_461, %swap3A_462] {strides = array<i32>} : memref<4x128xi32, #tpu.memory_space<vmem>>, vector<1x16xi32>,
      %swap3A_464 = vector.shape_cast %swap3A_463 : vector<1x16xi32> to vector<16xi32>
      %swap3A_465 = vector.shape_cast %select_n3A_459 : vector<16xi32> to vector<1x16xi32>
      tpu.vector_store %arg8[%swap3A_461, %swap3A_462], %swap3A_465 {strides = array<i32>} : memref<4x128xi32, #tpu.memory_space<vmem>>, vector<1x16xi32>,
      %get3A_466 = arith.constant 224 : index
      %get3A_467 = tpu.vector_load %arg6[%get3A_466] {strides = array<i32>} : memref<512xi32, #tpu.memory_space<vmem>>, vector<16xi32>,
      %get3A_468 = vector.shape_cast %get3A_467 : vector<16xi32> to vector<16xi32>
      %add3A_469 = arith.constant 224 : i32
      %add3A_470 = arith.addi %add3A_11, %add3A_469 : i32
      %iota3A_471 = tpu.iota {dimensions = array<i32: 0>} : vector<16xi32>
      %add3A_472 = vector.broadcast %add3A_470 : i32 to vector<16xi32>
      %add3A_473 = arith.addi %add3A_472, %iota3A_471 : vector<16xi32>
      %rem3A_474 = arith.constant 200 : i32
      %rem3A_475 = vector.broadcast %rem3A_474 : i32 to vector<16xi32>
      %rem3A_476 = arith.remsi %add3A_473, %rem3A_475 : vector<16xi32>
      %eq3A_477 = arith.constant 0 : i32
      %eq3A_478 = vector.broadcast %eq3A_477 : i32 to vector<16xi32>
      %eq3A_479 = arith.cmpi eq, %get3A_468, %eq3A_478 : vector<16xi32>
      %add3A_480 = arith.constant 99800 : i32
      %add3A_481 = vector.broadcast %add3A_480 : i32 to vector<16xi32>
      %add3A_482 = arith.addi %rem3A_476, %add3A_481 : vector<16xi32>
      %select_n3A_483 = arith.select %eq3A_479, %add3A_482, %get3A_468 : vector<16xi1>, vector<16xi32>
      %swap3A_484 = arith.constant 1 : i32
      %swap3A_485 = arith.index_cast %swap3A_484 : i32 to index
      %swap3A_486 = arith.constant 96 : index
      %swap3A_487 = tpu.vector_load %arg7[%swap3A_485, %swap3A_486] {strides = array<i32>} : memref<4x128xi32, #tpu.memory_space<vmem>>, vector<1x16xi32>,
      %swap3A_488 = vector.shape_cast %swap3A_487 : vector<1x16xi32> to vector<16xi32>
      %swap3A_489 = vector.shape_cast %select_n3A_483 : vector<16xi32> to vector<1x16xi32>
      tpu.vector_store %arg7[%swap3A_485, %swap3A_486], %swap3A_489 {strides = array<i32>} : memref<4x128xi32, #tpu.memory_space<vmem>>, vector<1x16xi32>,
      %jit3A_490 = arith.constant 200 : i32
      %broadcast_in_dim3A_491 = vector.broadcast %jit3A_490 : i32 to vector<16xi32>
      %select_n3A_492 = arith.select %eq3A_479, %broadcast_in_dim3A_491, %rem3A_476 : vector<16xi1>, vector<16xi32>
      %swap3A_493 = arith.constant 1 : i32
      %swap3A_494 = arith.index_cast %swap3A_493 : i32 to index
      %swap3A_495 = arith.constant 96 : index
      %swap3A_496 = tpu.vector_load %arg8[%swap3A_494, %swap3A_495] {strides = array<i32>} : memref<4x128xi32, #tpu.memory_space<vmem>>, vector<1x16xi32>,
      %swap3A_497 = vector.shape_cast %swap3A_496 : vector<1x16xi32> to vector<16xi32>
      %swap3A_498 = vector.shape_cast %select_n3A_492 : vector<16xi32> to vector<1x16xi32>
      tpu.vector_store %arg8[%swap3A_494, %swap3A_495], %swap3A_498 {strides = array<i32>} : memref<4x128xi32, #tpu.memory_space<vmem>>, vector<1x16xi32>,
      %get3A_499 = arith.constant 240 : index
      %get3A_500 = tpu.vector_load %arg6[%get3A_499] {strides = array<i32>} : memref<512xi32, #tpu.memory_space<vmem>>, vector<16xi32>,
      %get3A_501 = vector.shape_cast %get3A_500 : vector<16xi32> to vector<16xi32>
      %add3A_502 = arith.constant 240 : i32
      %add3A_503 = arith.addi %add3A_11, %add3A_502 : i32
      %iota3A_504 = tpu.iota {dimensions = array<i32: 0>} : vector<16xi32>
      %add3A_505 = vector.broadcast %add3A_503 : i32 to vector<16xi32>
      %add3A_506 = arith.addi %add3A_505, %iota3A_504 : vector<16xi32>
      %rem3A_507 = arith.constant 200 : i32
      %rem3A_508 = vector.broadcast %rem3A_507 : i32 to vector<16xi32>
      %rem3A_509 = arith.remsi %add3A_506, %rem3A_508 : vector<16xi32>
      %eq3A_510 = arith.constant 0 : i32
      %eq3A_511 = vector.broadcast %eq3A_510 : i32 to vector<16xi32>
      %eq3A_512 = arith.cmpi eq, %get3A_501, %eq3A_511 : vector<16xi32>
      %add3A_513 = arith.constant 99800 : i32
      %add3A_514 = vector.broadcast %add3A_513 : i32 to vector<16xi32>
      %add3A_515 = arith.addi %rem3A_509, %add3A_514 : vector<16xi32>
      %select_n3A_516 = arith.select %eq3A_512, %add3A_515, %get3A_501 : vector<16xi1>, vector<16xi32>
      %swap3A_517 = arith.constant 1 : i32
      %swap3A_518 = arith.index_cast %swap3A_517 : i32 to index
      %swap3A_519 = arith.constant 112 : index
      %swap3A_520 = tpu.vector_load %arg7[%swap3A_518, %swap3A_519] {strides = array<i32>} : memref<4x128xi32, #tpu.memory_space<vmem>>, vector<1x16xi32>,
      %swap3A_521 = vector.shape_cast %swap3A_520 : vector<1x16xi32> to vector<16xi32>
      %swap3A_522 = vector.shape_cast %select_n3A_516 : vector<16xi32> to vector<1x16xi32>
      tpu.vector_store %arg7[%swap3A_518, %swap3A_519], %swap3A_522 {strides = array<i32>} : memref<4x128xi32, #tpu.memory_space<vmem>>, vector<1x16xi32>,
      %jit3A_523 = arith.constant 200 : i32
      %broadcast_in_dim3A_524 = vector.broadcast %jit3A_523 : i32 to vector<16xi32>
      %select_n3A_525 = arith.select %eq3A_512, %broadcast_in_dim3A_524, %rem3A_509 : vector<16xi1>, vector<16xi32>
      %swap3A_526 = arith.constant 1 : i32
      %swap3A_527 = arith.index_cast %swap3A_526 : i32 to index
      %swap3A_528 = arith.constant 112 : index
      %swap3A_529 = tpu.vector_load %arg8[%swap3A_527, %swap3A_528] {strides = array<i32>} : memref<4x128xi32, #tpu.memory_space<vmem>>, vector<1x16xi32>,
      %swap3A_530 = vector.shape_cast %swap3A_529 : vector<1x16xi32> to vector<16xi32>
      %swap3A_531 = vector.shape_cast %select_n3A_525 : vector<16xi32> to vector<1x16xi32>
      tpu.vector_store %arg8[%swap3A_527, %swap3A_528], %swap3A_531 {strides = array<i32>} : memref<4x128xi32, #tpu.memory_space<vmem>>, vector<1x16xi32>,
      %get3A_532 = arith.constant 256 : index
      %get3A_533 = tpu.vector_load %arg6[%get3A_532] {strides = array<i32>} : memref<512xi32, #tpu.memory_space<vmem>>, vector<16xi32>,
      %get3A_534 = vector.shape_cast %get3A_533 : vector<16xi32> to vector<16xi32>
      %add3A_535 = arith.constant 256 : i32
      %add3A_536 = arith.addi %add3A_11, %add3A_535 : i32
      %iota3A_537 = tpu.iota {dimensions = array<i32: 0>} : vector<16xi32>
      %add3A_538 = vector.broadcast %add3A_536 : i32 to vector<16xi32>
      %add3A_539 = arith.addi %add3A_538, %iota3A_537 : vector<16xi32>
      %rem3A_540 = arith.constant 200 : i32
      %rem3A_541 = vector.broadcast %rem3A_540 : i32 to vector<16xi32>
      %rem3A_542 = arith.remsi %add3A_539, %rem3A_541 : vector<16xi32>
      %eq3A_543 = arith.constant 0 : i32
      %eq3A_544 = vector.broadcast %eq3A_543 : i32 to vector<16xi32>
      %eq3A_545 = arith.cmpi eq, %get3A_534, %eq3A_544 : vector<16xi32>
      %add3A_546 = arith.constant 99800 : i32
      %add3A_547 = vector.broadcast %add3A_546 : i32 to vector<16xi32>
      %add3A_548 = arith.addi %rem3A_542, %add3A_547 : vector<16xi32>
      %select_n3A_549 = arith.select %eq3A_545, %add3A_548, %get3A_534 : vector<16xi1>, vector<16xi32>
      %swap3A_550 = arith.constant 2 : i32
      %swap3A_551 = arith.index_cast %swap3A_550 : i32 to index
      %swap3A_552 = arith.constant 0 : index
      %swap3A_553 = tpu.vector_load %arg7[%swap3A_551, %swap3A_552] {strides = array<i32>} : memref<4x128xi32, #tpu.memory_space<vmem>>, vector<1x16xi32>,
      %swap3A_554 = vector.shape_cast %swap3A_553 : vector<1x16xi32> to vector<16xi32>
      %swap3A_555 = vector.shape_cast %select_n3A_549 : vector<16xi32> to vector<1x16xi32>
      tpu.vector_store %arg7[%swap3A_551, %swap3A_552], %swap3A_555 {strides = array<i32>} : memref<4x128xi32, #tpu.memory_space<vmem>>, vector<1x16xi32>,
      %jit3A_556 = arith.constant 200 : i32
      %broadcast_in_dim3A_557 = vector.broadcast %jit3A_556 : i32 to vector<16xi32>
      %select_n3A_558 = arith.select %eq3A_545, %broadcast_in_dim3A_557, %rem3A_542 : vector<16xi1>, vector<16xi32>
      %swap3A_559 = arith.constant 2 : i32
      %swap3A_560 = arith.index_cast %swap3A_559 : i32 to index
      %swap3A_561 = arith.constant 0 : index
      %swap3A_562 = tpu.vector_load %arg8[%swap3A_560, %swap3A_561] {strides = array<i32>} : memref<4x128xi32, #tpu.memory_space<vmem>>, vector<1x16xi32>,
      %swap3A_563 = vector.shape_cast %swap3A_562 : vector<1x16xi32> to vector<16xi32>
      %swap3A_564 = vector.shape_cast %select_n3A_558 : vector<16xi32> to vector<1x16xi32>
      tpu.vector_store %arg8[%swap3A_560, %swap3A_561], %swap3A_564 {strides = array<i32>} : memref<4x128xi32, #tpu.memory_space<vmem>>, vector<1x16xi32>,
      %get3A_565 = arith.constant 272 : index
      %get3A_566 = tpu.vector_load %arg6[%get3A_565] {strides = array<i32>} : memref<512xi32, #tpu.memory_space<vmem>>, vector<16xi32>,
      %get3A_567 = vector.shape_cast %get3A_566 : vector<16xi32> to vector<16xi32>
      %add3A_568 = arith.constant 272 : i32
      %add3A_569 = arith.addi %add3A_11, %add3A_568 : i32
      %iota3A_570 = tpu.iota {dimensions = array<i32: 0>} : vector<16xi32>
      %add3A_571 = vector.broadcast %add3A_569 : i32 to vector<16xi32>
      %add3A_572 = arith.addi %add3A_571, %iota3A_570 : vector<16xi32>
      %rem3A_573 = arith.constant 200 : i32
      %rem3A_574 = vector.broadcast %rem3A_573 : i32 to vector<16xi32>
      %rem3A_575 = arith.remsi %add3A_572, %rem3A_574 : vector<16xi32>
      %eq3A_576 = arith.constant 0 : i32
      %eq3A_577 = vector.broadcast %eq3A_576 : i32 to vector<16xi32>
      %eq3A_578 = arith.cmpi eq, %get3A_567, %eq3A_577 : vector<16xi32>
      %add3A_579 = arith.constant 99800 : i32
      %add3A_580 = vector.broadcast %add3A_579 : i32 to vector<16xi32>
      %add3A_581 = arith.addi %rem3A_575, %add3A_580 : vector<16xi32>
      %select_n3A_582 = arith.select %eq3A_578, %add3A_581, %get3A_567 : vector<16xi1>, vector<16xi32>
      %swap3A_583 = arith.constant 2 : i32
      %swap3A_584 = arith.index_cast %swap3A_583 : i32 to index
      %swap3A_585 = arith.constant 16 : index
      %swap3A_586 = tpu.vector_load %arg7[%swap3A_584, %swap3A_585] {strides = array<i32>} : memref<4x128xi32, #tpu.memory_space<vmem>>, vector<1x16xi32>,
      %swap3A_587 = vector.shape_cast %swap3A_586 : vector<1x16xi32> to vector<16xi32>
      %swap3A_588 = vector.shape_cast %select_n3A_582 : vector<16xi32> to vector<1x16xi32>
      tpu.vector_store %arg7[%swap3A_584, %swap3A_585], %swap3A_588 {strides = array<i32>} : memref<4x128xi32, #tpu.memory_space<vmem>>, vector<1x16xi32>,
      %jit3A_589 = arith.constant 200 : i32
      %broadcast_in_dim3A_590 = vector.broadcast %jit3A_589 : i32 to vector<16xi32>
      %select_n3A_591 = arith.select %eq3A_578, %broadcast_in_dim3A_590, %rem3A_575 : vector<16xi1>, vector<16xi32>
      %swap3A_592 = arith.constant 2 : i32
      %swap3A_593 = arith.index_cast %swap3A_592 : i32 to index
      %swap3A_594 = arith.constant 16 : index
      %swap3A_595 = tpu.vector_load %arg8[%swap3A_593, %swap3A_594] {strides = array<i32>} : memref<4x128xi32, #tpu.memory_space<vmem>>, vector<1x16xi32>,
      %swap3A_596 = vector.shape_cast %swap3A_595 : vector<1x16xi32> to vector<16xi32>
      %swap3A_597 = vector.shape_cast %select_n3A_591 : vector<16xi32> to vector<1x16xi32>
      tpu.vector_store %arg8[%swap3A_593, %swap3A_594], %swap3A_597 {strides = array<i32>} : memref<4x128xi32, #tpu.memory_space<vmem>>, vector<1x16xi32>,
      %get3A_598 = arith.constant 288 : index
      %get3A_599 = tpu.vector_load %arg6[%get3A_598] {strides = array<i32>} : memref<512xi32, #tpu.memory_space<vmem>>, vector<16xi32>,
      %get3A_600 = vector.shape_cast %get3A_599 : vector<16xi32> to vector<16xi32>
      %add3A_601 = arith.constant 288 : i32
      %add3A_602 = arith.addi %add3A_11, %add3A_601 : i32
      %iota3A_603 = tpu.iota {dimensions = array<i32: 0>} : vector<16xi32>
      %add3A_604 = vector.broadcast %add3A_602 : i32 to vector<16xi32>
      %add3A_605 = arith.addi %add3A_604, %iota3A_603 : vector<16xi32>
      %rem3A_606 = arith.constant 200 : i32
      %rem3A_607 = vector.broadcast %rem3A_606 : i32 to vector<16xi32>
      %rem3A_608 = arith.remsi %add3A_605, %rem3A_607 : vector<16xi32>
      %eq3A_609 = arith.constant 0 : i32
      %eq3A_610 = vector.broadcast %eq3A_609 : i32 to vector<16xi32>
      %eq3A_611 = arith.cmpi eq, %get3A_600, %eq3A_610 : vector<16xi32>
      %add3A_612 = arith.constant 99800 : i32
      %add3A_613 = vector.broadcast %add3A_612 : i32 to vector<16xi32>
      %add3A_614 = arith.addi %rem3A_608, %add3A_613 : vector<16xi32>
      %select_n3A_615 = arith.select %eq3A_611, %add3A_614, %get3A_600 : vector<16xi1>, vector<16xi32>
      %swap3A_616 = arith.constant 2 : i32
      %swap3A_617 = arith.index_cast %swap3A_616 : i32 to index
      %swap3A_618 = arith.constant 32 : index
      %swap3A_619 = tpu.vector_load %arg7[%swap3A_617, %swap3A_618] {strides = array<i32>} : memref<4x128xi32, #tpu.memory_space<vmem>>, vector<1x16xi32>,
      %swap3A_620 = vector.shape_cast %swap3A_619 : vector<1x16xi32> to vector<16xi32>
      %swap3A_621 = vector.shape_cast %select_n3A_615 : vector<16xi32> to vector<1x16xi32>
      tpu.vector_store %arg7[%swap3A_617, %swap3A_618], %swap3A_621 {strides = array<i32>} : memref<4x128xi32, #tpu.memory_space<vmem>>, vector<1x16xi32>,
      %jit3A_622 = arith.constant 200 : i32
      %broadcast_in_dim3A_623 = vector.broadcast %jit3A_622 : i32 to vector<16xi32>
      %select_n3A_624 = arith.select %eq3A_611, %broadcast_in_dim3A_623, %rem3A_608 : vector<16xi1>, vector<16xi32>
      %swap3A_625 = arith.constant 2 : i32
      %swap3A_626 = arith.index_cast %swap3A_625 : i32 to index
      %swap3A_627 = arith.constant 32 : index
      %swap3A_628 = tpu.vector_load %arg8[%swap3A_626, %swap3A_627] {strides = array<i32>} : memref<4x128xi32, #tpu.memory_space<vmem>>, vector<1x16xi32>,
      %swap3A_629 = vector.shape_cast %swap3A_628 : vector<1x16xi32> to vector<16xi32>
      %swap3A_630 = vector.shape_cast %select_n3A_624 : vector<16xi32> to vector<1x16xi32>
      tpu.vector_store %arg8[%swap3A_626, %swap3A_627], %swap3A_630 {strides = array<i32>} : memref<4x128xi32, #tpu.memory_space<vmem>>, vector<1x16xi32>,
      %get3A_631 = arith.constant 304 : index
      %get3A_632 = tpu.vector_load %arg6[%get3A_631] {strides = array<i32>} : memref<512xi32, #tpu.memory_space<vmem>>, vector<16xi32>,
      %get3A_633 = vector.shape_cast %get3A_632 : vector<16xi32> to vector<16xi32>
      %add3A_634 = arith.constant 304 : i32
      %add3A_635 = arith.addi %add3A_11, %add3A_634 : i32
      %iota3A_636 = tpu.iota {dimensions = array<i32: 0>} : vector<16xi32>
      %add3A_637 = vector.broadcast %add3A_635 : i32 to vector<16xi32>
      %add3A_638 = arith.addi %add3A_637, %iota3A_636 : vector<16xi32>
      %rem3A_639 = arith.constant 200 : i32
      %rem3A_640 = vector.broadcast %rem3A_639 : i32 to vector<16xi32>
      %rem3A_641 = arith.remsi %add3A_638, %rem3A_640 : vector<16xi32>
      %eq3A_642 = arith.constant 0 : i32
      %eq3A_643 = vector.broadcast %eq3A_642 : i32 to vector<16xi32>
      %eq3A_644 = arith.cmpi eq, %get3A_633, %eq3A_643 : vector<16xi32>
      %add3A_645 = arith.constant 99800 : i32
      %add3A_646 = vector.broadcast %add3A_645 : i32 to vector<16xi32>
      %add3A_647 = arith.addi %rem3A_641, %add3A_646 : vector<16xi32>
      %select_n3A_648 = arith.select %eq3A_644, %add3A_647, %get3A_633 : vector<16xi1>, vector<16xi32>
      %swap3A_649 = arith.constant 2 : i32
      %swap3A_650 = arith.index_cast %swap3A_649 : i32 to index
      %swap3A_651 = arith.constant 48 : index
      %swap3A_652 = tpu.vector_load %arg7[%swap3A_650, %swap3A_651] {strides = array<i32>} : memref<4x128xi32, #tpu.memory_space<vmem>>, vector<1x16xi32>,
      %swap3A_653 = vector.shape_cast %swap3A_652 : vector<1x16xi32> to vector<16xi32>
      %swap3A_654 = vector.shape_cast %select_n3A_648 : vector<16xi32> to vector<1x16xi32>
      tpu.vector_store %arg7[%swap3A_650, %swap3A_651], %swap3A_654 {strides = array<i32>} : memref<4x128xi32, #tpu.memory_space<vmem>>, vector<1x16xi32>,
      %jit3A_655 = arith.constant 200 : i32
      %broadcast_in_dim3A_656 = vector.broadcast %jit3A_655 : i32 to vector<16xi32>
      %select_n3A_657 = arith.select %eq3A_644, %broadcast_in_dim3A_656, %rem3A_641 : vector<16xi1>, vector<16xi32>
      %swap3A_658 = arith.constant 2 : i32
      %swap3A_659 = arith.index_cast %swap3A_658 : i32 to index
      %swap3A_660 = arith.constant 48 : index
      %swap3A_661 = tpu.vector_load %arg8[%swap3A_659, %swap3A_660] {strides = array<i32>} : memref<4x128xi32, #tpu.memory_space<vmem>>, vector<1x16xi32>,
      %swap3A_662 = vector.shape_cast %swap3A_661 : vector<1x16xi32> to vector<16xi32>
      %swap3A_663 = vector.shape_cast %select_n3A_657 : vector<16xi32> to vector<1x16xi32>
      tpu.vector_store %arg8[%swap3A_659, %swap3A_660], %swap3A_663 {strides = array<i32>} : memref<4x128xi32, #tpu.memory_space<vmem>>, vector<1x16xi32>,
      %get3A_664 = arith.constant 320 : index
      %get3A_665 = tpu.vector_load %arg6[%get3A_664] {strides = array<i32>} : memref<512xi32, #tpu.memory_space<vmem>>, vector<16xi32>,
      %get3A_666 = vector.shape_cast %get3A_665 : vector<16xi32> to vector<16xi32>
      %add3A_667 = arith.constant 320 : i32
      %add3A_668 = arith.addi %add3A_11, %add3A_667 : i32
      %iota3A_669 = tpu.iota {dimensions = array<i32: 0>} : vector<16xi32>
      %add3A_670 = vector.broadcast %add3A_668 : i32 to vector<16xi32>
      %add3A_671 = arith.addi %add3A_670, %iota3A_669 : vector<16xi32>
      %rem3A_672 = arith.constant 200 : i32
      %rem3A_673 = vector.broadcast %rem3A_672 : i32 to vector<16xi32>
      %rem3A_674 = arith.remsi %add3A_671, %rem3A_673 : vector<16xi32>
      %eq3A_675 = arith.constant 0 : i32
      %eq3A_676 = vector.broadcast %eq3A_675 : i32 to vector<16xi32>
      %eq3A_677 = arith.cmpi eq, %get3A_666, %eq3A_676 : vector<16xi32>
      %add3A_678 = arith.constant 99800 : i32
      %add3A_679 = vector.broadcast %add3A_678 : i32 to vector<16xi32>
      %add3A_680 = arith.addi %rem3A_674, %add3A_679 : vector<16xi32>
      %select_n3A_681 = arith.select %eq3A_677, %add3A_680, %get3A_666 : vector<16xi1>, vector<16xi32>
      %swap3A_682 = arith.constant 2 : i32
      %swap3A_683 = arith.index_cast %swap3A_682 : i32 to index
      %swap3A_684 = arith.constant 64 : index
      %swap3A_685 = tpu.vector_load %arg7[%swap3A_683, %swap3A_684] {strides = array<i32>} : memref<4x128xi32, #tpu.memory_space<vmem>>, vector<1x16xi32>,
      %swap3A_686 = vector.shape_cast %swap3A_685 : vector<1x16xi32> to vector<16xi32>
      %swap3A_687 = vector.shape_cast %select_n3A_681 : vector<16xi32> to vector<1x16xi32>
      tpu.vector_store %arg7[%swap3A_683, %swap3A_684], %swap3A_687 {strides = array<i32>} : memref<4x128xi32, #tpu.memory_space<vmem>>, vector<1x16xi32>,
      %jit3A_688 = arith.constant 200 : i32
      %broadcast_in_dim3A_689 = vector.broadcast %jit3A_688 : i32 to vector<16xi32>
      %select_n3A_690 = arith.select %eq3A_677, %broadcast_in_dim3A_689, %rem3A_674 : vector<16xi1>, vector<16xi32>
      %swap3A_691 = arith.constant 2 : i32
      %swap3A_692 = arith.index_cast %swap3A_691 : i32 to index
      %swap3A_693 = arith.constant 64 : index
      %swap3A_694 = tpu.vector_load %arg8[%swap3A_692, %swap3A_693] {strides = array<i32>} : memref<4x128xi32, #tpu.memory_space<vmem>>, vector<1x16xi32>,
      %swap3A_695 = vector.shape_cast %swap3A_694 : vector<1x16xi32> to vector<16xi32>
      %swap3A_696 = vector.shape_cast %select_n3A_690 : vector<16xi32> to vector<1x16xi32>
      tpu.vector_store %arg8[%swap3A_692, %swap3A_693], %swap3A_696 {strides = array<i32>} : memref<4x128xi32, #tpu.memory_space<vmem>>, vector<1x16xi32>,
      %get3A_697 = arith.constant 336 : index
      %get3A_698 = tpu.vector_load %arg6[%get3A_697] {strides = array<i32>} : memref<512xi32, #tpu.memory_space<vmem>>, vector<16xi32>,
      %get3A_699 = vector.shape_cast %get3A_698 : vector<16xi32> to vector<16xi32>
      %add3A_700 = arith.constant 336 : i32
      %add3A_701 = arith.addi %add3A_11, %add3A_700 : i32
      %iota3A_702 = tpu.iota {dimensions = array<i32: 0>} : vector<16xi32>
      %add3A_703 = vector.broadcast %add3A_701 : i32 to vector<16xi32>
      %add3A_704 = arith.addi %add3A_703, %iota3A_702 : vector<16xi32>
      %rem3A_705 = arith.constant 200 : i32
      %rem3A_706 = vector.broadcast %rem3A_705 : i32 to vector<16xi32>
      %rem3A_707 = arith.remsi %add3A_704, %rem3A_706 : vector<16xi32>
      %eq3A_708 = arith.constant 0 : i32
      %eq3A_709 = vector.broadcast %eq3A_708 : i32 to vector<16xi32>
      %eq3A_710 = arith.cmpi eq, %get3A_699, %eq3A_709 : vector<16xi32>
      %add3A_711 = arith.constant 99800 : i32
      %add3A_712 = vector.broadcast %add3A_711 : i32 to vector<16xi32>
      %add3A_713 = arith.addi %rem3A_707, %add3A_712 : vector<16xi32>
      %select_n3A_714 = arith.select %eq3A_710, %add3A_713, %get3A_699 : vector<16xi1>, vector<16xi32>
      %swap3A_715 = arith.constant 2 : i32
      %swap3A_716 = arith.index_cast %swap3A_715 : i32 to index
      %swap3A_717 = arith.constant 80 : index
      %swap3A_718 = tpu.vector_load %arg7[%swap3A_716, %swap3A_717] {strides = array<i32>} : memref<4x128xi32, #tpu.memory_space<vmem>>, vector<1x16xi32>,
      %swap3A_719 = vector.shape_cast %swap3A_718 : vector<1x16xi32> to vector<16xi32>
      %swap3A_720 = vector.shape_cast %select_n3A_714 : vector<16xi32> to vector<1x16xi32>
      tpu.vector_store %arg7[%swap3A_716, %swap3A_717], %swap3A_720 {strides = array<i32>} : memref<4x128xi32, #tpu.memory_space<vmem>>, vector<1x16xi32>,
      %jit3A_721 = arith.constant 200 : i32
      %broadcast_in_dim3A_722 = vector.broadcast %jit3A_721 : i32 to vector<16xi32>
      %select_n3A_723 = arith.select %eq3A_710, %broadcast_in_dim3A_722, %rem3A_707 : vector<16xi1>, vector<16xi32>
      %swap3A_724 = arith.constant 2 : i32
      %swap3A_725 = arith.index_cast %swap3A_724 : i32 to index
      %swap3A_726 = arith.constant 80 : index
      %swap3A_727 = tpu.vector_load %arg8[%swap3A_725, %swap3A_726] {strides = array<i32>} : memref<4x128xi32, #tpu.memory_space<vmem>>, vector<1x16xi32>,
      %swap3A_728 = vector.shape_cast %swap3A_727 : vector<1x16xi32> to vector<16xi32>
      %swap3A_729 = vector.shape_cast %select_n3A_723 : vector<16xi32> to vector<1x16xi32>
      tpu.vector_store %arg8[%swap3A_725, %swap3A_726], %swap3A_729 {strides = array<i32>} : memref<4x128xi32, #tpu.memory_space<vmem>>, vector<1x16xi32>,
      %get3A_730 = arith.constant 352 : index
      %get3A_731 = tpu.vector_load %arg6[%get3A_730] {strides = array<i32>} : memref<512xi32, #tpu.memory_space<vmem>>, vector<16xi32>,
      %get3A_732 = vector.shape_cast %get3A_731 : vector<16xi32> to vector<16xi32>
      %add3A_733 = arith.constant 352 : i32
      %add3A_734 = arith.addi %add3A_11, %add3A_733 : i32
      %iota3A_735 = tpu.iota {dimensions = array<i32: 0>} : vector<16xi32>
      %add3A_736 = vector.broadcast %add3A_734 : i32 to vector<16xi32>
      %add3A_737 = arith.addi %add3A_736, %iota3A_735 : vector<16xi32>
      %rem3A_738 = arith.constant 200 : i32
      %rem3A_739 = vector.broadcast %rem3A_738 : i32 to vector<16xi32>
      %rem3A_740 = arith.remsi %add3A_737, %rem3A_739 : vector<16xi32>
      %eq3A_741 = arith.constant 0 : i32
      %eq3A_742 = vector.broadcast %eq3A_741 : i32 to vector<16xi32>
      %eq3A_743 = arith.cmpi eq, %get3A_732, %eq3A_742 : vector<16xi32>
      %add3A_744 = arith.constant 99800 : i32
      %add3A_745 = vector.broadcast %add3A_744 : i32 to vector<16xi32>
      %add3A_746 = arith.addi %rem3A_740, %add3A_745 : vector<16xi32>
      %select_n3A_747 = arith.select %eq3A_743, %add3A_746, %get3A_732 : vector<16xi1>, vector<16xi32>
      %swap3A_748 = arith.constant 2 : i32
      %swap3A_749 = arith.index_cast %swap3A_748 : i32 to index
      %swap3A_750 = arith.constant 96 : index
      %swap3A_751 = tpu.vector_load %arg7[%swap3A_749, %swap3A_750] {strides = array<i32>} : memref<4x128xi32, #tpu.memory_space<vmem>>, vector<1x16xi32>,
      %swap3A_752 = vector.shape_cast %swap3A_751 : vector<1x16xi32> to vector<16xi32>
      %swap3A_753 = vector.shape_cast %select_n3A_747 : vector<16xi32> to vector<1x16xi32>
      tpu.vector_store %arg7[%swap3A_749, %swap3A_750], %swap3A_753 {strides = array<i32>} : memref<4x128xi32, #tpu.memory_space<vmem>>, vector<1x16xi32>,
      %jit3A_754 = arith.constant 200 : i32
      %broadcast_in_dim3A_755 = vector.broadcast %jit3A_754 : i32 to vector<16xi32>
      %select_n3A_756 = arith.select %eq3A_743, %broadcast_in_dim3A_755, %rem3A_740 : vector<16xi1>, vector<16xi32>
      %swap3A_757 = arith.constant 2 : i32
      %swap3A_758 = arith.index_cast %swap3A_757 : i32 to index
      %swap3A_759 = arith.constant 96 : index
      %swap3A_760 = tpu.vector_load %arg8[%swap3A_758, %swap3A_759] {strides = array<i32>} : memref<4x128xi32, #tpu.memory_space<vmem>>, vector<1x16xi32>,
      %swap3A_761 = vector.shape_cast %swap3A_760 : vector<1x16xi32> to vector<16xi32>
      %swap3A_762 = vector.shape_cast %select_n3A_756 : vector<16xi32> to vector<1x16xi32>
      tpu.vector_store %arg8[%swap3A_758, %swap3A_759], %swap3A_762 {strides = array<i32>} : memref<4x128xi32, #tpu.memory_space<vmem>>, vector<1x16xi32>,
      %get3A_763 = arith.constant 368 : index
      %get3A_764 = tpu.vector_load %arg6[%get3A_763] {strides = array<i32>} : memref<512xi32, #tpu.memory_space<vmem>>, vector<16xi32>,
      %get3A_765 = vector.shape_cast %get3A_764 : vector<16xi32> to vector<16xi32>
      %add3A_766 = arith.constant 368 : i32
      %add3A_767 = arith.addi %add3A_11, %add3A_766 : i32
      %iota3A_768 = tpu.iota {dimensions = array<i32: 0>} : vector<16xi32>
      %add3A_769 = vector.broadcast %add3A_767 : i32 to vector<16xi32>
      %add3A_770 = arith.addi %add3A_769, %iota3A_768 : vector<16xi32>
      %rem3A_771 = arith.constant 200 : i32
      %rem3A_772 = vector.broadcast %rem3A_771 : i32 to vector<16xi32>
      %rem3A_773 = arith.remsi %add3A_770, %rem3A_772 : vector<16xi32>
      %eq3A_774 = arith.constant 0 : i32
      %eq3A_775 = vector.broadcast %eq3A_774 : i32 to vector<16xi32>
      %eq3A_776 = arith.cmpi eq, %get3A_765, %eq3A_775 : vector<16xi32>
      %add3A_777 = arith.constant 99800 : i32
      %add3A_778 = vector.broadcast %add3A_777 : i32 to vector<16xi32>
      %add3A_779 = arith.addi %rem3A_773, %add3A_778 : vector<16xi32>
      %select_n3A_780 = arith.select %eq3A_776, %add3A_779, %get3A_765 : vector<16xi1>, vector<16xi32>
      %swap3A_781 = arith.constant 2 : i32
      %swap3A_782 = arith.index_cast %swap3A_781 : i32 to index
      %swap3A_783 = arith.constant 112 : index
      %swap3A_784 = tpu.vector_load %arg7[%swap3A_782, %swap3A_783] {strides = array<i32>} : memref<4x128xi32, #tpu.memory_space<vmem>>, vector<1x16xi32>,
      %swap3A_785 = vector.shape_cast %swap3A_784 : vector<1x16xi32> to vector<16xi32>
      %swap3A_786 = vector.shape_cast %select_n3A_780 : vector<16xi32> to vector<1x16xi32>
      tpu.vector_store %arg7[%swap3A_782, %swap3A_783], %swap3A_786 {strides = array<i32>} : memref<4x128xi32, #tpu.memory_space<vmem>>, vector<1x16xi32>,
      %jit3A_787 = arith.constant 200 : i32
      %broadcast_in_dim3A_788 = vector.broadcast %jit3A_787 : i32 to vector<16xi32>
      %select_n3A_789 = arith.select %eq3A_776, %broadcast_in_dim3A_788, %rem3A_773 : vector<16xi1>, vector<16xi32>
      %swap3A_790 = arith.constant 2 : i32
      %swap3A_791 = arith.index_cast %swap3A_790 : i32 to index
      %swap3A_792 = arith.constant 112 : index
      %swap3A_793 = tpu.vector_load %arg8[%swap3A_791, %swap3A_792] {strides = array<i32>} : memref<4x128xi32, #tpu.memory_space<vmem>>, vector<1x16xi32>,
      %swap3A_794 = vector.shape_cast %swap3A_793 : vector<1x16xi32> to vector<16xi32>
      %swap3A_795 = vector.shape_cast %select_n3A_789 : vector<16xi32> to vector<1x16xi32>
      tpu.vector_store %arg8[%swap3A_791, %swap3A_792], %swap3A_795 {strides = array<i32>} : memref<4x128xi32, #tpu.memory_space<vmem>>, vector<1x16xi32>,
      %get3A_796 = arith.constant 384 : index
      %get3A_797 = tpu.vector_load %arg6[%get3A_796] {strides = array<i32>} : memref<512xi32, #tpu.memory_space<vmem>>, vector<16xi32>,
      %get3A_798 = vector.shape_cast %get3A_797 : vector<16xi32> to vector<16xi32>
      %add3A_799 = arith.constant 384 : i32
      %add3A_800 = arith.addi %add3A_11, %add3A_799 : i32
      %iota3A_801 = tpu.iota {dimensions = array<i32: 0>} : vector<16xi32>
      %add3A_802 = vector.broadcast %add3A_800 : i32 to vector<16xi32>
      %add3A_803 = arith.addi %add3A_802, %iota3A_801 : vector<16xi32>
      %rem3A_804 = arith.constant 200 : i32
      %rem3A_805 = vector.broadcast %rem3A_804 : i32 to vector<16xi32>
      %rem3A_806 = arith.remsi %add3A_803, %rem3A_805 : vector<16xi32>
      %eq3A_807 = arith.constant 0 : i32
      %eq3A_808 = vector.broadcast %eq3A_807 : i32 to vector<16xi32>
      %eq3A_809 = arith.cmpi eq, %get3A_798, %eq3A_808 : vector<16xi32>
      %add3A_810 = arith.constant 99800 : i32
      %add3A_811 = vector.broadcast %add3A_810 : i32 to vector<16xi32>
      %add3A_812 = arith.addi %rem3A_806, %add3A_811 : vector<16xi32>
      %select_n3A_813 = arith.select %eq3A_809, %add3A_812, %get3A_798 : vector<16xi1>, vector<16xi32>
      %swap3A_814 = arith.constant 3 : i32
      %swap3A_815 = arith.index_cast %swap3A_814 : i32 to index
      %swap3A_816 = arith.constant 0 : index
      %swap3A_817 = tpu.vector_load %arg7[%swap3A_815, %swap3A_816] {strides = array<i32>} : memref<4x128xi32, #tpu.memory_space<vmem>>, vector<1x16xi32>,
      %swap3A_818 = vector.shape_cast %swap3A_817 : vector<1x16xi32> to vector<16xi32>
      %swap3A_819 = vector.shape_cast %select_n3A_813 : vector<16xi32> to vector<1x16xi32>
      tpu.vector_store %arg7[%swap3A_815, %swap3A_816], %swap3A_819 {strides = array<i32>} : memref<4x128xi32, #tpu.memory_space<vmem>>, vector<1x16xi32>,
      %jit3A_820 = arith.constant 200 : i32
      %broadcast_in_dim3A_821 = vector.broadcast %jit3A_820 : i32 to vector<16xi32>
      %select_n3A_822 = arith.select %eq3A_809, %broadcast_in_dim3A_821, %rem3A_806 : vector<16xi1>, vector<16xi32>
      %swap3A_823 = arith.constant 3 : i32
      %swap3A_824 = arith.index_cast %swap3A_823 : i32 to index
      %swap3A_825 = arith.constant 0 : index
      %swap3A_826 = tpu.vector_load %arg8[%swap3A_824, %swap3A_825] {strides = array<i32>} : memref<4x128xi32, #tpu.memory_space<vmem>>, vector<1x16xi32>,
      %swap3A_827 = vector.shape_cast %swap3A_826 : vector<1x16xi32> to vector<16xi32>
      %swap3A_828 = vector.shape_cast %select_n3A_822 : vector<16xi32> to vector<1x16xi32>
      tpu.vector_store %arg8[%swap3A_824, %swap3A_825], %swap3A_828 {strides = array<i32>} : memref<4x128xi32, #tpu.memory_space<vmem>>, vector<1x16xi32>,
      %get3A_829 = arith.constant 400 : index
      %get3A_830 = tpu.vector_load %arg6[%get3A_829] {strides = array<i32>} : memref<512xi32, #tpu.memory_space<vmem>>, vector<16xi32>,
      %get3A_831 = vector.shape_cast %get3A_830 : vector<16xi32> to vector<16xi32>
      %add3A_832 = arith.constant 400 : i32
      %add3A_833 = arith.addi %add3A_11, %add3A_832 : i32
      %iota3A_834 = tpu.iota {dimensions = array<i32: 0>} : vector<16xi32>
      %add3A_835 = vector.broadcast %add3A_833 : i32 to vector<16xi32>
      %add3A_836 = arith.addi %add3A_835, %iota3A_834 : vector<16xi32>
      %rem3A_837 = arith.constant 200 : i32
      %rem3A_838 = vector.broadcast %rem3A_837 : i32 to vector<16xi32>
      %rem3A_839 = arith.remsi %add3A_836, %rem3A_838 : vector<16xi32>
      %eq3A_840 = arith.constant 0 : i32
      %eq3A_841 = vector.broadcast %eq3A_840 : i32 to vector<16xi32>
      %eq3A_842 = arith.cmpi eq, %get3A_831, %eq3A_841 : vector<16xi32>
      %add3A_843 = arith.constant 99800 : i32
      %add3A_844 = vector.broadcast %add3A_843 : i32 to vector<16xi32>
      %add3A_845 = arith.addi %rem3A_839, %add3A_844 : vector<16xi32>
      %select_n3A_846 = arith.select %eq3A_842, %add3A_845, %get3A_831 : vector<16xi1>, vector<16xi32>
      %swap3A_847 = arith.constant 3 : i32
      %swap3A_848 = arith.index_cast %swap3A_847 : i32 to index
      %swap3A_849 = arith.constant 16 : index
      %swap3A_850 = tpu.vector_load %arg7[%swap3A_848, %swap3A_849] {strides = array<i32>} : memref<4x128xi32, #tpu.memory_space<vmem>>, vector<1x16xi32>,
      %swap3A_851 = vector.shape_cast %swap3A_850 : vector<1x16xi32> to vector<16xi32>
      %swap3A_852 = vector.shape_cast %select_n3A_846 : vector<16xi32> to vector<1x16xi32>
      tpu.vector_store %arg7[%swap3A_848, %swap3A_849], %swap3A_852 {strides = array<i32>} : memref<4x128xi32, #tpu.memory_space<vmem>>, vector<1x16xi32>,
      %jit3A_853 = arith.constant 200 : i32
      %broadcast_in_dim3A_854 = vector.broadcast %jit3A_853 : i32 to vector<16xi32>
      %select_n3A_855 = arith.select %eq3A_842, %broadcast_in_dim3A_854, %rem3A_839 : vector<16xi1>, vector<16xi32>
      %swap3A_856 = arith.constant 3 : i32
      %swap3A_857 = arith.index_cast %swap3A_856 : i32 to index
      %swap3A_858 = arith.constant 16 : index
      %swap3A_859 = tpu.vector_load %arg8[%swap3A_857, %swap3A_858] {strides = array<i32>} : memref<4x128xi32, #tpu.memory_space<vmem>>, vector<1x16xi32>,
      %swap3A_860 = vector.shape_cast %swap3A_859 : vector<1x16xi32> to vector<16xi32>
      %swap3A_861 = vector.shape_cast %select_n3A_855 : vector<16xi32> to vector<1x16xi32>
      tpu.vector_store %arg8[%swap3A_857, %swap3A_858], %swap3A_861 {strides = array<i32>} : memref<4x128xi32, #tpu.memory_space<vmem>>, vector<1x16xi32>,
      %get3A_862 = arith.constant 416 : index
      %get3A_863 = tpu.vector_load %arg6[%get3A_862] {strides = array<i32>} : memref<512xi32, #tpu.memory_space<vmem>>, vector<16xi32>,
      %get3A_864 = vector.shape_cast %get3A_863 : vector<16xi32> to vector<16xi32>
      %add3A_865 = arith.constant 416 : i32
      %add3A_866 = arith.addi %add3A_11, %add3A_865 : i32
      %iota3A_867 = tpu.iota {dimensions = array<i32: 0>} : vector<16xi32>
      %add3A_868 = vector.broadcast %add3A_866 : i32 to vector<16xi32>
      %add3A_869 = arith.addi %add3A_868, %iota3A_867 : vector<16xi32>
      %rem3A_870 = arith.constant 200 : i32
      %rem3A_871 = vector.broadcast %rem3A_870 : i32 to vector<16xi32>
      %rem3A_872 = arith.remsi %add3A_869, %rem3A_871 : vector<16xi32>
      %eq3A_873 = arith.constant 0 : i32
      %eq3A_874 = vector.broadcast %eq3A_873 : i32 to vector<16xi32>
      %eq3A_875 = arith.cmpi eq, %get3A_864, %eq3A_874 : vector<16xi32>
      %add3A_876 = arith.constant 99800 : i32
      %add3A_877 = vector.broadcast %add3A_876 : i32 to vector<16xi32>
      %add3A_878 = arith.addi %rem3A_872, %add3A_877 : vector<16xi32>
      %select_n3A_879 = arith.select %eq3A_875, %add3A_878, %get3A_864 : vector<16xi1>, vector<16xi32>
      %swap3A_880 = arith.constant 3 : i32
      %swap3A_881 = arith.index_cast %swap3A_880 : i32 to index
      %swap3A_882 = arith.constant 32 : index
      %swap3A_883 = tpu.vector_load %arg7[%swap3A_881, %swap3A_882] {strides = array<i32>} : memref<4x128xi32, #tpu.memory_space<vmem>>, vector<1x16xi32>,
      %swap3A_884 = vector.shape_cast %swap3A_883 : vector<1x16xi32> to vector<16xi32>
      %swap3A_885 = vector.shape_cast %select_n3A_879 : vector<16xi32> to vector<1x16xi32>
      tpu.vector_store %arg7[%swap3A_881, %swap3A_882], %swap3A_885 {strides = array<i32>} : memref<4x128xi32, #tpu.memory_space<vmem>>, vector<1x16xi32>,
      %jit3A_886 = arith.constant 200 : i32
      %broadcast_in_dim3A_887 = vector.broadcast %jit3A_886 : i32 to vector<16xi32>
      %select_n3A_888 = arith.select %eq3A_875, %broadcast_in_dim3A_887, %rem3A_872 : vector<16xi1>, vector<16xi32>
      %swap3A_889 = arith.constant 3 : i32
      %swap3A_890 = arith.index_cast %swap3A_889 : i32 to index
      %swap3A_891 = arith.constant 32 : index
      %swap3A_892 = tpu.vector_load %arg8[%swap3A_890, %swap3A_891] {strides = array<i32>} : memref<4x128xi32, #tpu.memory_space<vmem>>, vector<1x16xi32>,
      %swap3A_893 = vector.shape_cast %swap3A_892 : vector<1x16xi32> to vector<16xi32>
      %swap3A_894 = vector.shape_cast %select_n3A_888 : vector<16xi32> to vector<1x16xi32>
      tpu.vector_store %arg8[%swap3A_890, %swap3A_891], %swap3A_894 {strides = array<i32>} : memref<4x128xi32, #tpu.memory_space<vmem>>, vector<1x16xi32>,
      %get3A_895 = arith.constant 432 : index
      %get3A_896 = tpu.vector_load %arg6[%get3A_895] {strides = array<i32>} : memref<512xi32, #tpu.memory_space<vmem>>, vector<16xi32>,
      %get3A_897 = vector.shape_cast %get3A_896 : vector<16xi32> to vector<16xi32>
      %add3A_898 = arith.constant 432 : i32
      %add3A_899 = arith.addi %add3A_11, %add3A_898 : i32
      %iota3A_900 = tpu.iota {dimensions = array<i32: 0>} : vector<16xi32>
      %add3A_901 = vector.broadcast %add3A_899 : i32 to vector<16xi32>
      %add3A_902 = arith.addi %add3A_901, %iota3A_900 : vector<16xi32>
      %rem3A_903 = arith.constant 200 : i32
      %rem3A_904 = vector.broadcast %rem3A_903 : i32 to vector<16xi32>
      %rem3A_905 = arith.remsi %add3A_902, %rem3A_904 : vector<16xi32>
      %eq3A_906 = arith.constant 0 : i32
      %eq3A_907 = vector.broadcast %eq3A_906 : i32 to vector<16xi32>
      %eq3A_908 = arith.cmpi eq, %get3A_897, %eq3A_907 : vector<16xi32>
      %add3A_909 = arith.constant 99800 : i32
      %add3A_910 = vector.broadcast %add3A_909 : i32 to vector<16xi32>
      %add3A_911 = arith.addi %rem3A_905, %add3A_910 : vector<16xi32>
      %select_n3A_912 = arith.select %eq3A_908, %add3A_911, %get3A_897 : vector<16xi1>, vector<16xi32>
      %swap3A_913 = arith.constant 3 : i32
      %swap3A_914 = arith.index_cast %swap3A_913 : i32 to index
      %swap3A_915 = arith.constant 48 : index
      %swap3A_916 = tpu.vector_load %arg7[%swap3A_914, %swap3A_915] {strides = array<i32>} : memref<4x128xi32, #tpu.memory_space<vmem>>, vector<1x16xi32>,
      %swap3A_917 = vector.shape_cast %swap3A_916 : vector<1x16xi32> to vector<16xi32>
      %swap3A_918 = vector.shape_cast %select_n3A_912 : vector<16xi32> to vector<1x16xi32>
      tpu.vector_store %arg7[%swap3A_914, %swap3A_915], %swap3A_918 {strides = array<i32>} : memref<4x128xi32, #tpu.memory_space<vmem>>, vector<1x16xi32>,
      %jit3A_919 = arith.constant 200 : i32
      %broadcast_in_dim3A_920 = vector.broadcast %jit3A_919 : i32 to vector<16xi32>
      %select_n3A_921 = arith.select %eq3A_908, %broadcast_in_dim3A_920, %rem3A_905 : vector<16xi1>, vector<16xi32>
      %swap3A_922 = arith.constant 3 : i32
      %swap3A_923 = arith.index_cast %swap3A_922 : i32 to index
      %swap3A_924 = arith.constant 48 : index
      %swap3A_925 = tpu.vector_load %arg8[%swap3A_923, %swap3A_924] {strides = array<i32>} : memref<4x128xi32, #tpu.memory_space<vmem>>, vector<1x16xi32>,
      %swap3A_926 = vector.shape_cast %swap3A_925 : vector<1x16xi32> to vector<16xi32>
      %swap3A_927 = vector.shape_cast %select_n3A_921 : vector<16xi32> to vector<1x16xi32>
      tpu.vector_store %arg8[%swap3A_923, %swap3A_924], %swap3A_927 {strides = array<i32>} : memref<4x128xi32, #tpu.memory_space<vmem>>, vector<1x16xi32>,
      %get3A_928 = arith.constant 448 : index
      %get3A_929 = tpu.vector_load %arg6[%get3A_928] {strides = array<i32>} : memref<512xi32, #tpu.memory_space<vmem>>, vector<16xi32>,
      %get3A_930 = vector.shape_cast %get3A_929 : vector<16xi32> to vector<16xi32>
      %add3A_931 = arith.constant 448 : i32
      %add3A_932 = arith.addi %add3A_11, %add3A_931 : i32
      %iota3A_933 = tpu.iota {dimensions = array<i32: 0>} : vector<16xi32>
      %add3A_934 = vector.broadcast %add3A_932 : i32 to vector<16xi32>
      %add3A_935 = arith.addi %add3A_934, %iota3A_933 : vector<16xi32>
      %rem3A_936 = arith.constant 200 : i32
      %rem3A_937 = vector.broadcast %rem3A_936 : i32 to vector<16xi32>
      %rem3A_938 = arith.remsi %add3A_935, %rem3A_937 : vector<16xi32>
      %eq3A_939 = arith.constant 0 : i32
      %eq3A_940 = vector.broadcast %eq3A_939 : i32 to vector<16xi32>
      %eq3A_941 = arith.cmpi eq, %get3A_930, %eq3A_940 : vector<16xi32>
      %add3A_942 = arith.constant 99800 : i32
      %add3A_943 = vector.broadcast %add3A_942 : i32 to vector<16xi32>
      %add3A_944 = arith.addi %rem3A_938, %add3A_943 : vector<16xi32>
      %select_n3A_945 = arith.select %eq3A_941, %add3A_944, %get3A_930 : vector<16xi1>, vector<16xi32>
      %swap3A_946 = arith.constant 3 : i32
      %swap3A_947 = arith.index_cast %swap3A_946 : i32 to index
      %swap3A_948 = arith.constant 64 : index
      %swap3A_949 = tpu.vector_load %arg7[%swap3A_947, %swap3A_948] {strides = array<i32>} : memref<4x128xi32, #tpu.memory_space<vmem>>, vector<1x16xi32>,
      %swap3A_950 = vector.shape_cast %swap3A_949 : vector<1x16xi32> to vector<16xi32>
      %swap3A_951 = vector.shape_cast %select_n3A_945 : vector<16xi32> to vector<1x16xi32>
      tpu.vector_store %arg7[%swap3A_947, %swap3A_948], %swap3A_951 {strides = array<i32>} : memref<4x128xi32, #tpu.memory_space<vmem>>, vector<1x16xi32>,
      %jit3A_952 = arith.constant 200 : i32
      %broadcast_in_dim3A_953 = vector.broadcast %jit3A_952 : i32 to vector<16xi32>
      %select_n3A_954 = arith.select %eq3A_941, %broadcast_in_dim3A_953, %rem3A_938 : vector<16xi1>, vector<16xi32>
      %swap3A_955 = arith.constant 3 : i32
      %swap3A_956 = arith.index_cast %swap3A_955 : i32 to index
      %swap3A_957 = arith.constant 64 : index
      %swap3A_958 = tpu.vector_load %arg8[%swap3A_956, %swap3A_957] {strides = array<i32>} : memref<4x128xi32, #tpu.memory_space<vmem>>, vector<1x16xi32>,
      %swap3A_959 = vector.shape_cast %swap3A_958 : vector<1x16xi32> to vector<16xi32>
      %swap3A_960 = vector.shape_cast %select_n3A_954 : vector<16xi32> to vector<1x16xi32>
      tpu.vector_store %arg8[%swap3A_956, %swap3A_957], %swap3A_960 {strides = array<i32>} : memref<4x128xi32, #tpu.memory_space<vmem>>, vector<1x16xi32>,
      %get3A_961 = arith.constant 464 : index
      %get3A_962 = tpu.vector_load %arg6[%get3A_961] {strides = array<i32>} : memref<512xi32, #tpu.memory_space<vmem>>, vector<16xi32>,
      %get3A_963 = vector.shape_cast %get3A_962 : vector<16xi32> to vector<16xi32>
      %add3A_964 = arith.constant 464 : i32
      %add3A_965 = arith.addi %add3A_11, %add3A_964 : i32
      %iota3A_966 = tpu.iota {dimensions = array<i32: 0>} : vector<16xi32>
      %add3A_967 = vector.broadcast %add3A_965 : i32 to vector<16xi32>
      %add3A_968 = arith.addi %add3A_967, %iota3A_966 : vector<16xi32>
      %rem3A_969 = arith.constant 200 : i32
      %rem3A_970 = vector.broadcast %rem3A_969 : i32 to vector<16xi32>
      %rem3A_971 = arith.remsi %add3A_968, %rem3A_970 : vector<16xi32>
      %eq3A_972 = arith.constant 0 : i32
      %eq3A_973 = vector.broadcast %eq3A_972 : i32 to vector<16xi32>
      %eq3A_974 = arith.cmpi eq, %get3A_963, %eq3A_973 : vector<16xi32>
      %add3A_975 = arith.constant 99800 : i32
      %add3A_976 = vector.broadcast %add3A_975 : i32 to vector<16xi32>
      %add3A_977 = arith.addi %rem3A_971, %add3A_976 : vector<16xi32>
      %select_n3A_978 = arith.select %eq3A_974, %add3A_977, %get3A_963 : vector<16xi1>, vector<16xi32>
      %swap3A_979 = arith.constant 3 : i32
      %swap3A_980 = arith.index_cast %swap3A_979 : i32 to index
      %swap3A_981 = arith.constant 80 : index
      %swap3A_982 = tpu.vector_load %arg7[%swap3A_980, %swap3A_981] {strides = array<i32>} : memref<4x128xi32, #tpu.memory_space<vmem>>, vector<1x16xi32>,
      %swap3A_983 = vector.shape_cast %swap3A_982 : vector<1x16xi32> to vector<16xi32>
      %swap3A_984 = vector.shape_cast %select_n3A_978 : vector<16xi32> to vector<1x16xi32>
      tpu.vector_store %arg7[%swap3A_980, %swap3A_981], %swap3A_984 {strides = array<i32>} : memref<4x128xi32, #tpu.memory_space<vmem>>, vector<1x16xi32>,
      %jit3A_985 = arith.constant 200 : i32
      %broadcast_in_dim3A_986 = vector.broadcast %jit3A_985 : i32 to vector<16xi32>
      %select_n3A_987 = arith.select %eq3A_974, %broadcast_in_dim3A_986, %rem3A_971 : vector<16xi1>, vector<16xi32>
      %swap3A_988 = arith.constant 3 : i32
      %swap3A_989 = arith.index_cast %swap3A_988 : i32 to index
      %swap3A_990 = arith.constant 80 : index
      %swap3A_991 = tpu.vector_load %arg8[%swap3A_989, %swap3A_990] {strides = array<i32>} : memref<4x128xi32, #tpu.memory_space<vmem>>, vector<1x16xi32>,
      %swap3A_992 = vector.shape_cast %swap3A_991 : vector<1x16xi32> to vector<16xi32>
      %swap3A_993 = vector.shape_cast %select_n3A_987 : vector<16xi32> to vector<1x16xi32>
      tpu.vector_store %arg8[%swap3A_989, %swap3A_990], %swap3A_993 {strides = array<i32>} : memref<4x128xi32, #tpu.memory_space<vmem>>, vector<1x16xi32>,
      %get3A_994 = arith.constant 480 : index
      %get3A_995 = tpu.vector_load %arg6[%get3A_994] {strides = array<i32>} : memref<512xi32, #tpu.memory_space<vmem>>, vector<16xi32>,
      %get3A_996 = vector.shape_cast %get3A_995 : vector<16xi32> to vector<16xi32>
      %add3A_997 = arith.constant 480 : i32
      %add3A_998 = arith.addi %add3A_11, %add3A_997 : i32
      %iota3A_999 = tpu.iota {dimensions = array<i32: 0>} : vector<16xi32>
      %add3A_1000 = vector.broadcast %add3A_998 : i32 to vector<16xi32>
      %add3A_1001 = arith.addi %add3A_1000, %iota3A_999 : vector<16xi32>
      %rem3A_1002 = arith.constant 200 : i32
      %rem3A_1003 = vector.broadcast %rem3A_1002 : i32 to vector<16xi32>
      %rem3A_1004 = arith.remsi %add3A_1001, %rem3A_1003 : vector<16xi32>
      %eq3A_1005 = arith.constant 0 : i32
      %eq3A_1006 = vector.broadcast %eq3A_1005 : i32 to vector<16xi32>
      %eq3A_1007 = arith.cmpi eq, %get3A_996, %eq3A_1006 : vector<16xi32>
      %add3A_1008 = arith.constant 99800 : i32
      %add3A_1009 = vector.broadcast %add3A_1008 : i32 to vector<16xi32>
      %add3A_1010 = arith.addi %rem3A_1004, %add3A_1009 : vector<16xi32>
      %select_n3A_1011 = arith.select %eq3A_1007, %add3A_1010, %get3A_996 : vector<16xi1>, vector<16xi32>
      %swap3A_1012 = arith.constant 3 : i32
      %swap3A_1013 = arith.index_cast %swap3A_1012 : i32 to index
      %swap3A_1014 = arith.constant 96 : index
      %swap3A_1015 = tpu.vector_load %arg7[%swap3A_1013, %swap3A_1014] {strides = array<i32>} : memref<4x128xi32, #tpu.memory_space<vmem>>, vector<1x16xi32>,
      %swap3A_1016 = vector.shape_cast %swap3A_1015 : vector<1x16xi32> to vector<16xi32>
      %swap3A_1017 = vector.shape_cast %select_n3A_1011 : vector<16xi32> to vector<1x16xi32>
      tpu.vector_store %arg7[%swap3A_1013, %swap3A_1014], %swap3A_1017 {strides = array<i32>} : memref<4x128xi32, #tpu.memory_space<vmem>>, vector<1x16xi32>,
      %jit3A_1018 = arith.constant 200 : i32
      %broadcast_in_dim3A_1019 = vector.broadcast %jit3A_1018 : i32 to vector<16xi32>
      %select_n3A_1020 = arith.select %eq3A_1007, %broadcast_in_dim3A_1019, %rem3A_1004 : vector<16xi1>, vector<16xi32>
      %swap3A_1021 = arith.constant 3 : i32
      %swap3A_1022 = arith.index_cast %swap3A_1021 : i32 to index
      %swap3A_1023 = arith.constant 96 : index
      %swap3A_1024 = tpu.vector_load %arg8[%swap3A_1022, %swap3A_1023] {strides = array<i32>} : memref<4x128xi32, #tpu.memory_space<vmem>>, vector<1x16xi32>,
      %swap3A_1025 = vector.shape_cast %swap3A_1024 : vector<1x16xi32> to vector<16xi32>
      %swap3A_1026 = vector.shape_cast %select_n3A_1020 : vector<16xi32> to vector<1x16xi32>
      tpu.vector_store %arg8[%swap3A_1022, %swap3A_1023], %swap3A_1026 {strides = array<i32>} : memref<4x128xi32, #tpu.memory_space<vmem>>, vector<1x16xi32>,
      %get3A_1027 = arith.constant 496 : index
      %get3A_1028 = tpu.vector_load %arg6[%get3A_1027] {strides = array<i32>} : memref<512xi32, #tpu.memory_space<vmem>>, vector<16xi32>,
      %get3A_1029 = vector.shape_cast %get3A_1028 : vector<16xi32> to vector<16xi32>
      %add3A_1030 = arith.constant 496 : i32
      %add3A_1031 = arith.addi %add3A_11, %add3A_1030 : i32
      %iota3A_1032 = tpu.iota {dimensions = array<i32: 0>} : vector<16xi32>
      %add3A_1033 = vector.broadcast %add3A_1031 : i32 to vector<16xi32>
      %add3A_1034 = arith.addi %add3A_1033, %iota3A_1032 : vector<16xi32>
      %rem3A_1035 = arith.constant 200 : i32
      %rem3A_1036 = vector.broadcast %rem3A_1035 : i32 to vector<16xi32>
      %rem3A_1037 = arith.remsi %add3A_1034, %rem3A_1036 : vector<16xi32>
      %eq3A_1038 = arith.constant 0 : i32
      %eq3A_1039 = vector.broadcast %eq3A_1038 : i32 to vector<16xi32>
      %eq3A_1040 = arith.cmpi eq, %get3A_1029, %eq3A_1039 : vector<16xi32>
      %add3A_1041 = arith.constant 99800 : i32
      %add3A_1042 = vector.broadcast %add3A_1041 : i32 to vector<16xi32>
      %add3A_1043 = arith.addi %rem3A_1037, %add3A_1042 : vector<16xi32>
      %select_n3A_1044 = arith.select %eq3A_1040, %add3A_1043, %get3A_1029 : vector<16xi1>, vector<16xi32>
      %swap3A_1045 = arith.constant 3 : i32
      %swap3A_1046 = arith.index_cast %swap3A_1045 : i32 to index
      %swap3A_1047 = arith.constant 112 : index
      %swap3A_1048 = tpu.vector_load %arg7[%swap3A_1046, %swap3A_1047] {strides = array<i32>} : memref<4x128xi32, #tpu.memory_space<vmem>>, vector<1x16xi32>,
      %swap3A_1049 = vector.shape_cast %swap3A_1048 : vector<1x16xi32> to vector<16xi32>
      %swap3A_1050 = vector.shape_cast %select_n3A_1044 : vector<16xi32> to vector<1x16xi32>
      tpu.vector_store %arg7[%swap3A_1046, %swap3A_1047], %swap3A_1050 {strides = array<i32>} : memref<4x128xi32, #tpu.memory_space<vmem>>, vector<1x16xi32>,
      %jit3A_1051 = arith.constant 200 : i32
      %broadcast_in_dim3A_1052 = vector.broadcast %jit3A_1051 : i32 to vector<16xi32>
      %select_n3A_1053 = arith.select %eq3A_1040, %broadcast_in_dim3A_1052, %rem3A_1037 : vector<16xi1>, vector<16xi32>
      %swap3A_1054 = arith.constant 3 : i32
      %swap3A_1055 = arith.index_cast %swap3A_1054 : i32 to index
      %swap3A_1056 = arith.constant 112 : index
      %swap3A_1057 = tpu.vector_load %arg8[%swap3A_1055, %swap3A_1056] {strides = array<i32>} : memref<4x128xi32, #tpu.memory_space<vmem>>, vector<1x16xi32>,
      %swap3A_1058 = vector.shape_cast %swap3A_1057 : vector<1x16xi32> to vector<16xi32>
      %swap3A_1059 = vector.shape_cast %select_n3A_1053 : vector<16xi32> to vector<1x16xi32>
      tpu.vector_store %arg8[%swap3A_1055, %swap3A_1056], %swap3A_1059 {strides = array<i32>} : memref<4x128xi32, #tpu.memory_space<vmem>>, vector<1x16xi32>,
      %dma_start3A = arith.constant 0 : i32
      %dma_start3A_1060 = arith.constant 0 : i32
      %dma_start3A_1061 = arith.constant 0 : i32
      %dma_start3A_1062 = tpu.memref_slice %arg9[%dma_start3A_1060, %dma_start3A_1061] : memref<512x64xf32, #tpu.memory_space<vmem>> -> memref<128x64xf32, #tpu.memory_space<vmem>>
      %dma_start3A_1063 = arith.constant 0 : i32
      %dma_start3A_1064 = tpu.memref_slice %arg7[%dma_start3A, %dma_start3A_1063] : memref<4x128xi32, #tpu.memory_space<vmem>> -> memref<1x128xi32, #tpu.memory_space<vmem>>
      %dma_start3A_1065 = tpu.memref_squeeze %dma_start3A_1064 : memref<1x128xi32, #tpu.memory_space<vmem>> -> memref<128xi32, #tpu.memory_space<vmem>>
      %dma_start3A_1066 = arith.constant 0 : i32
      %dma_start3A_1067 = arith.constant 0 : i32
      %dma_start3A_1068 = tpu.memref_slice %arg3[%dma_start3A_1066, %dma_start3A_1067] : memref<100000x64xf32, #tpu.memory_space<hbm>> -> memref<100000x64xf32, #tpu.memory_space<hbm>>
      tpu.enqueue_indirect_dma source(%dma_start3A_1068 : memref<100000x64xf32, #tpu.memory_space<hbm>>) target(%dma_start3A_1062 : memref<128x64xf32, #tpu.memory_space<vmem>>) offsets(%dma_start3A_1065 : memref<128xi32, #tpu.memory_space<vmem>>) semaphore(%arg11 : memref<!tpu.dma_semaphore, #tpu.memory_space<semaphore_mem>>)
      %dma_start3A_1069 = arith.constant 0 : i32
      %dma_start3A_1070 = arith.constant 0 : i32
      %dma_start3A_1071 = arith.constant 0 : i32
      %dma_start3A_1072 = tpu.memref_slice %arg10[%dma_start3A_1070, %dma_start3A_1071] : memref<512x64xf32, #tpu.memory_space<vmem>> -> memref<128x64xf32, #tpu.memory_space<vmem>>
      %dma_start3A_1073 = arith.constant 0 : i32
      %dma_start3A_1074 = tpu.memref_slice %arg8[%dma_start3A_1069, %dma_start3A_1073] : memref<4x128xi32, #tpu.memory_space<vmem>> -> memref<1x128xi32, #tpu.memory_space<vmem>>
      %dma_start3A_1075 = tpu.memref_squeeze %dma_start3A_1074 : memref<1x128xi32, #tpu.memory_space<vmem>> -> memref<128xi32, #tpu.memory_space<vmem>>
      %dma_start3A_1076 = arith.constant 0 : i32
      %dma_start3A_1077 = arith.constant 0 : i32
      %dma_start3A_1078 = tpu.memref_slice %arg4[%dma_start3A_1076, %dma_start3A_1077] : memref<201x64xf32, #tpu.memory_space<hbm>> -> memref<201x64xf32, #tpu.memory_space<hbm>>
      tpu.enqueue_indirect_dma source(%dma_start3A_1078 : memref<201x64xf32, #tpu.memory_space<hbm>>) target(%dma_start3A_1072 : memref<128x64xf32, #tpu.memory_space<vmem>>) offsets(%dma_start3A_1075 : memref<128xi32, #tpu.memory_space<vmem>>) semaphore(%arg11 : memref<!tpu.dma_semaphore, #tpu.memory_space<semaphore_mem>>)
      %dma_start3A_1079 = arith.constant 1 : i32
      %dma_start3A_1080 = arith.constant 128 : i32
      %dma_start3A_1081 = arith.constant 0 : i32
      %dma_start3A_1082 = tpu.memref_slice %arg9[%dma_start3A_1080, %dma_start3A_1081] : memref<512x64xf32, #tpu.memory_space<vmem>> -> memref<128x64xf32, #tpu.memory_space<vmem>>
      %dma_start3A_1083 = arith.constant 0 : i32
      %dma_start3A_1084 = tpu.memref_slice %arg7[%dma_start3A_1079, %dma_start3A_1083] : memref<4x128xi32, #tpu.memory_space<vmem>> -> memref<1x128xi32, #tpu.memory_space<vmem>>
      %dma_start3A_1085 = tpu.memref_squeeze %dma_start3A_1084 : memref<1x128xi32, #tpu.memory_space<vmem>> -> memref<128xi32, #tpu.memory_space<vmem>>
      %dma_start3A_1086 = arith.constant 0 : i32
      %dma_start3A_1087 = arith.constant 0 : i32
      %dma_start3A_1088 = tpu.memref_slice %arg3[%dma_start3A_1086, %dma_start3A_1087] : memref<100000x64xf32, #tpu.memory_space<hbm>> -> memref<100000x64xf32, #tpu.memory_space<hbm>>
      tpu.enqueue_indirect_dma source(%dma_start3A_1088 : memref<100000x64xf32, #tpu.memory_space<hbm>>) target(%dma_start3A_1082 : memref<128x64xf32, #tpu.memory_space<vmem>>) offsets(%dma_start3A_1085 : memref<128xi32, #tpu.memory_space<vmem>>) semaphore(%arg11 : memref<!tpu.dma_semaphore, #tpu.memory_space<semaphore_mem>>)
      %dma_start3A_1089 = arith.constant 1 : i32
      %dma_start3A_1090 = arith.constant 128 : i32
      %dma_start3A_1091 = arith.constant 0 : i32
      %dma_start3A_1092 = tpu.memref_slice %arg10[%dma_start3A_1090, %dma_start3A_1091] : memref<512x64xf32, #tpu.memory_space<vmem>> -> memref<128x64xf32, #tpu.memory_space<vmem>>
      %dma_start3A_1093 = arith.constant 0 : i32
      %dma_start3A_1094 = tpu.memref_slice %arg8[%dma_start3A_1089, %dma_start3A_1093] : memref<4x128xi32, #tpu.memory_space<vmem>> -> memref<1x128xi32, #tpu.memory_space<vmem>>
      %dma_start3A_1095 = tpu.memref_squeeze %dma_start3A_1094 : memref<1x128xi32, #tpu.memory_space<vmem>> -> memref<128xi32, #tpu.memory_space<vmem>>
      %dma_start3A_1096 = arith.constant 0 : i32
      %dma_start3A_1097 = arith.constant 0 : i32
      %dma_start3A_1098 = tpu.memref_slice %arg4[%dma_start3A_1096, %dma_start3A_1097] : memref<201x64xf32, #tpu.memory_space<hbm>> -> memref<201x64xf32, #tpu.memory_space<hbm>>
      tpu.enqueue_indirect_dma source(%dma_start3A_1098 : memref<201x64xf32, #tpu.memory_space<hbm>>) target(%dma_start3A_1092 : memref<128x64xf32, #tpu.memory_space<vmem>>) offsets(%dma_start3A_1095 : memref<128xi32, #tpu.memory_space<vmem>>) semaphore(%arg11 : memref<!tpu.dma_semaphore, #tpu.memory_space<semaphore_mem>>)
      %dma_start3A_1099 = arith.constant 2 : i32
      %dma_start3A_1100 = arith.constant 256 : i32
      %dma_start3A_1101 = arith.constant 0 : i32
      %dma_start3A_1102 = tpu.memref_slice %arg9[%dma_start3A_1100, %dma_start3A_1101] : memref<512x64xf32, #tpu.memory_space<vmem>> -> memref<128x64xf32, #tpu.memory_space<vmem>>
      %dma_start3A_1103 = arith.constant 0 : i32
      %dma_start3A_1104 = tpu.memref_slice %arg7[%dma_start3A_1099, %dma_start3A_1103] : memref<4x128xi32, #tpu.memory_space<vmem>> -> memref<1x128xi32, #tpu.memory_space<vmem>>
      %dma_start3A_1105 = tpu.memref_squeeze %dma_start3A_1104 : memref<1x128xi32, #tpu.memory_space<vmem>> -> memref<128xi32, #tpu.memory_space<vmem>>
      %dma_start3A_1106 = arith.constant 0 : i32
      %dma_start3A_1107 = arith.constant 0 : i32
      %dma_start3A_1108 = tpu.memref_slice %arg3[%dma_start3A_1106, %dma_start3A_1107] : memref<100000x64xf32, #tpu.memory_space<hbm>> -> memref<100000x64xf32, #tpu.memory_space<hbm>>
      tpu.enqueue_indirect_dma source(%dma_start3A_1108 : memref<100000x64xf32, #tpu.memory_space<hbm>>) target(%dma_start3A_1102 : memref<128x64xf32, #tpu.memory_space<vmem>>) offsets(%dma_start3A_1105 : memref<128xi32, #tpu.memory_space<vmem>>) semaphore(%arg11 : memref<!tpu.dma_semaphore, #tpu.memory_space<semaphore_mem>>)
      %dma_start3A_1109 = arith.constant 2 : i32
      %dma_start3A_1110 = arith.constant 256 : i32
      %dma_start3A_1111 = arith.constant 0 : i32
      %dma_start3A_1112 = tpu.memref_slice %arg10[%dma_start3A_1110, %dma_start3A_1111] : memref<512x64xf32, #tpu.memory_space<vmem>> -> memref<128x64xf32, #tpu.memory_space<vmem>>
      %dma_start3A_1113 = arith.constant 0 : i32
      %dma_start3A_1114 = tpu.memref_slice %arg8[%dma_start3A_1109, %dma_start3A_1113] : memref<4x128xi32, #tpu.memory_space<vmem>> -> memref<1x128xi32, #tpu.memory_space<vmem>>
      %dma_start3A_1115 = tpu.memref_squeeze %dma_start3A_1114 : memref<1x128xi32, #tpu.memory_space<vmem>> -> memref<128xi32, #tpu.memory_space<vmem>>
      %dma_start3A_1116 = arith.constant 0 : i32
      %dma_start3A_1117 = arith.constant 0 : i32
      %dma_start3A_1118 = tpu.memref_slice %arg4[%dma_start3A_1116, %dma_start3A_1117] : memref<201x64xf32, #tpu.memory_space<hbm>> -> memref<201x64xf32, #tpu.memory_space<hbm>>
      tpu.enqueue_indirect_dma source(%dma_start3A_1118 : memref<201x64xf32, #tpu.memory_space<hbm>>) target(%dma_start3A_1112 : memref<128x64xf32, #tpu.memory_space<vmem>>) offsets(%dma_start3A_1115 : memref<128xi32, #tpu.memory_space<vmem>>) semaphore(%arg11 : memref<!tpu.dma_semaphore, #tpu.memory_space<semaphore_mem>>)
      %dma_start3A_1119 = arith.constant 3 : i32
      %dma_start3A_1120 = arith.constant 384 : i32
      %dma_start3A_1121 = arith.constant 0 : i32
      %dma_start3A_1122 = tpu.memref_slice %arg9[%dma_start3A_1120, %dma_start3A_1121] : memref<512x64xf32, #tpu.memory_space<vmem>> -> memref<128x64xf32, #tpu.memory_space<vmem>>
      %dma_start3A_1123 = arith.constant 0 : i32
      %dma_start3A_1124 = tpu.memref_slice %arg7[%dma_start3A_1119, %dma_start3A_1123] : memref<4x128xi32, #tpu.memory_space<vmem>> -> memref<1x128xi32, #tpu.memory_space<vmem>>
      %dma_start3A_1125 = tpu.memref_squeeze %dma_start3A_1124 : memref<1x128xi32, #tpu.memory_space<vmem>> -> memref<128xi32, #tpu.memory_space<vmem>>
      %dma_start3A_1126 = arith.constant 0 : i32
      %dma_start3A_1127 = arith.constant 0 : i32
      %dma_start3A_1128 = tpu.memref_slice %arg3[%dma_start3A_1126, %dma_start3A_1127] : memref<100000x64xf32, #tpu.memory_space<hbm>> -> memref<100000x64xf32, #tpu.memory_space<hbm>>
      tpu.enqueue_indirect_dma source(%dma_start3A_1128 : memref<100000x64xf32, #tpu.memory_space<hbm>>) target(%dma_start3A_1122 : memref<128x64xf32, #tpu.memory_space<vmem>>) offsets(%dma_start3A_1125 : memref<128xi32, #tpu.memory_space<vmem>>) semaphore(%arg11 : memref<!tpu.dma_semaphore, #tpu.memory_space<semaphore_mem>>)
      %dma_start3A_1129 = arith.constant 3 : i32
      %dma_start3A_1130 = arith.constant 384 : i32
      %dma_start3A_1131 = arith.constant 0 : i32
      %dma_start3A_1132 = tpu.memref_slice %arg10[%dma_start3A_1130, %dma_start3A_1131] : memref<512x64xf32, #tpu.memory_space<vmem>> -> memref<128x64xf32, #tpu.memory_space<vmem>>
      %dma_start3A_1133 = arith.constant 0 : i32
      %dma_start3A_1134 = tpu.memref_slice %arg8[%dma_start3A_1129, %dma_start3A_1133] : memref<4x128xi32, #tpu.memory_space<vmem>> -> memref<1x128xi32, #tpu.memory_space<vmem>>
      %dma_start3A_1135 = tpu.memref_squeeze %dma_start3A_1134 : memref<1x128xi32, #tpu.memory_space<vmem>> -> memref<128xi32, #tpu.memory_space<vmem>>
      %dma_start3A_1136 = arith.constant 0 : i32
      %dma_start3A_1137 = arith.constant 0 : i32
      %dma_start3A_1138 = tpu.memref_slice %arg4[%dma_start3A_1136, %dma_start3A_1137] : memref<201x64xf32, #tpu.memory_space<hbm>> -> memref<201x64xf32, #tpu.memory_space<hbm>>
      tpu.enqueue_indirect_dma source(%dma_start3A_1138 : memref<201x64xf32, #tpu.memory_space<hbm>>) target(%dma_start3A_1132 : memref<128x64xf32, #tpu.memory_space<vmem>>) offsets(%dma_start3A_1135 : memref<128xi32, #tpu.memory_space<vmem>>) semaphore(%arg11 : memref<!tpu.dma_semaphore, #tpu.memory_space<semaphore_mem>>)
      %dma_wait3A = arith.constant 0 : i32
      %dma_wait3A_1139 = arith.constant 0 : i32
      %dma_wait3A_1140 = arith.constant 0 : i32
      %dma_wait3A_1141 = tpu.memref_slice %arg9[%dma_wait3A_1139, %dma_wait3A_1140] : memref<512x64xf32, #tpu.memory_space<vmem>> -> memref<128x64xf32, #tpu.memory_space<vmem>>
      %dma_wait3A_1142 = arith.constant 0 : i32
      %dma_wait3A_1143 = tpu.memref_slice %arg7[%dma_wait3A, %dma_wait3A_1142] : memref<4x128xi32, #tpu.memory_space<vmem>> -> memref<1x128xi32, #tpu.memory_space<vmem>>
      %dma_wait3A_1144 = tpu.memref_squeeze %dma_wait3A_1143 : memref<1x128xi32, #tpu.memory_space<vmem>> -> memref<128xi32, #tpu.memory_space<vmem>>
      %dma_wait3A_1145 = arith.constant 0 : i32
      %dma_wait3A_1146 = arith.constant 0 : i32
      %dma_wait3A_1147 = tpu.memref_slice %arg3[%dma_wait3A_1145, %dma_wait3A_1146] : memref<100000x64xf32, #tpu.memory_space<hbm>> -> memref<100000x64xf32, #tpu.memory_space<hbm>>
      tpu.wait_indirect_dma semaphore(%arg11 : memref<!tpu.dma_semaphore, #tpu.memory_space<semaphore_mem>>) src(%dma_wait3A_1147 : memref<100000x64xf32, #tpu.memory_space<hbm>>) dst(%dma_wait3A_1141 : memref<128x64xf32, #tpu.memory_space<vmem>>)
      %dma_wait3A_1148 = arith.constant 0 : i32
      %dma_wait3A_1149 = arith.constant 0 : i32
      %dma_wait3A_1150 = arith.constant 0 : i32
      %dma_wait3A_1151 = tpu.memref_slice %arg10[%dma_wait3A_1149, %dma_wait3A_1150] : memref<512x64xf32, #tpu.memory_space<vmem>> -> memref<128x64xf32, #tpu.memory_space<vmem>>
      %dma_wait3A_1152 = arith.constant 0 : i32
      %dma_wait3A_1153 = tpu.memref_slice %arg8[%dma_wait3A_1148, %dma_wait3A_1152] : memref<4x128xi32, #tpu.memory_space<vmem>> -> memref<1x128xi32, #tpu.memory_space<vmem>>
      %dma_wait3A_1154 = tpu.memref_squeeze %dma_wait3A_1153 : memref<1x128xi32, #tpu.memory_space<vmem>> -> memref<128xi32, #tpu.memory_space<vmem>>
      %dma_wait3A_1155 = arith.constant 0 : i32
      %dma_wait3A_1156 = arith.constant 0 : i32
      %dma_wait3A_1157 = tpu.memref_slice %arg4[%dma_wait3A_1155, %dma_wait3A_1156] : memref<201x64xf32, #tpu.memory_space<hbm>> -> memref<201x64xf32, #tpu.memory_space<hbm>>
      tpu.wait_indirect_dma semaphore(%arg11 : memref<!tpu.dma_semaphore, #tpu.memory_space<semaphore_mem>>) src(%dma_wait3A_1157 : memref<201x64xf32, #tpu.memory_space<hbm>>) dst(%dma_wait3A_1151 : memref<128x64xf32, #tpu.memory_space<vmem>>)
      %dma_wait3A_1158 = arith.constant 1 : i32
      %dma_wait3A_1159 = arith.constant 128 : i32
      %dma_wait3A_1160 = arith.constant 0 : i32
      %dma_wait3A_1161 = tpu.memref_slice %arg9[%dma_wait3A_1159, %dma_wait3A_1160] : memref<512x64xf32, #tpu.memory_space<vmem>> -> memref<128x64xf32, #tpu.memory_space<vmem>>
      %dma_wait3A_1162 = arith.constant 0 : i32
      %dma_wait3A_1163 = tpu.memref_slice %arg7[%dma_wait3A_1158, %dma_wait3A_1162] : memref<4x128xi32, #tpu.memory_space<vmem>> -> memref<1x128xi32, #tpu.memory_space<vmem>>
      %dma_wait3A_1164 = tpu.memref_squeeze %dma_wait3A_1163 : memref<1x128xi32, #tpu.memory_space<vmem>> -> memref<128xi32, #tpu.memory_space<vmem>>
      %dma_wait3A_1165 = arith.constant 0 : i32
      %dma_wait3A_1166 = arith.constant 0 : i32
      %dma_wait3A_1167 = tpu.memref_slice %arg3[%dma_wait3A_1165, %dma_wait3A_1166] : memref<100000x64xf32, #tpu.memory_space<hbm>> -> memref<100000x64xf32, #tpu.memory_space<hbm>>
      tpu.wait_indirect_dma semaphore(%arg11 : memref<!tpu.dma_semaphore, #tpu.memory_space<semaphore_mem>>) src(%dma_wait3A_1167 : memref<100000x64xf32, #tpu.memory_space<hbm>>) dst(%dma_wait3A_1161 : memref<128x64xf32, #tpu.memory_space<vmem>>)
      %dma_wait3A_1168 = arith.constant 1 : i32
      %dma_wait3A_1169 = arith.constant 128 : i32
      %dma_wait3A_1170 = arith.constant 0 : i32
      %dma_wait3A_1171 = tpu.memref_slice %arg10[%dma_wait3A_1169, %dma_wait3A_1170] : memref<512x64xf32, #tpu.memory_space<vmem>> -> memref<128x64xf32, #tpu.memory_space<vmem>>
      %dma_wait3A_1172 = arith.constant 0 : i32
      %dma_wait3A_1173 = tpu.memref_slice %arg8[%dma_wait3A_1168, %dma_wait3A_1172] : memref<4x128xi32, #tpu.memory_space<vmem>> -> memref<1x128xi32, #tpu.memory_space<vmem>>
      %dma_wait3A_1174 = tpu.memref_squeeze %dma_wait3A_1173 : memref<1x128xi32, #tpu.memory_space<vmem>> -> memref<128xi32, #tpu.memory_space<vmem>>
      %dma_wait3A_1175 = arith.constant 0 : i32
      %dma_wait3A_1176 = arith.constant 0 : i32
      %dma_wait3A_1177 = tpu.memref_slice %arg4[%dma_wait3A_1175, %dma_wait3A_1176] : memref<201x64xf32, #tpu.memory_space<hbm>> -> memref<201x64xf32, #tpu.memory_space<hbm>>
      tpu.wait_indirect_dma semaphore(%arg11 : memref<!tpu.dma_semaphore, #tpu.memory_space<semaphore_mem>>) src(%dma_wait3A_1177 : memref<201x64xf32, #tpu.memory_space<hbm>>) dst(%dma_wait3A_1171 : memref<128x64xf32, #tpu.memory_space<vmem>>)
      %dma_wait3A_1178 = arith.constant 2 : i32
      %dma_wait3A_1179 = arith.constant 256 : i32
      %dma_wait3A_1180 = arith.constant 0 : i32
      %dma_wait3A_1181 = tpu.memref_slice %arg9[%dma_wait3A_1179, %dma_wait3A_1180] : memref<512x64xf32, #tpu.memory_space<vmem>> -> memref<128x64xf32, #tpu.memory_space<vmem>>
      %dma_wait3A_1182 = arith.constant 0 : i32
      %dma_wait3A_1183 = tpu.memref_slice %arg7[%dma_wait3A_1178, %dma_wait3A_1182] : memref<4x128xi32, #tpu.memory_space<vmem>> -> memref<1x128xi32, #tpu.memory_space<vmem>>
      %dma_wait3A_1184 = tpu.memref_squeeze %dma_wait3A_1183 : memref<1x128xi32, #tpu.memory_space<vmem>> -> memref<128xi32, #tpu.memory_space<vmem>>
      %dma_wait3A_1185 = arith.constant 0 : i32
      %dma_wait3A_1186 = arith.constant 0 : i32
      %dma_wait3A_1187 = tpu.memref_slice %arg3[%dma_wait3A_1185, %dma_wait3A_1186] : memref<100000x64xf32, #tpu.memory_space<hbm>> -> memref<100000x64xf32, #tpu.memory_space<hbm>>
      tpu.wait_indirect_dma semaphore(%arg11 : memref<!tpu.dma_semaphore, #tpu.memory_space<semaphore_mem>>) src(%dma_wait3A_1187 : memref<100000x64xf32, #tpu.memory_space<hbm>>) dst(%dma_wait3A_1181 : memref<128x64xf32, #tpu.memory_space<vmem>>)
      %dma_wait3A_1188 = arith.constant 2 : i32
      %dma_wait3A_1189 = arith.constant 256 : i32
      %dma_wait3A_1190 = arith.constant 0 : i32
      %dma_wait3A_1191 = tpu.memref_slice %arg10[%dma_wait3A_1189, %dma_wait3A_1190] : memref<512x64xf32, #tpu.memory_space<vmem>> -> memref<128x64xf32, #tpu.memory_space<vmem>>
      %dma_wait3A_1192 = arith.constant 0 : i32
      %dma_wait3A_1193 = tpu.memref_slice %arg8[%dma_wait3A_1188, %dma_wait3A_1192] : memref<4x128xi32, #tpu.memory_space<vmem>> -> memref<1x128xi32, #tpu.memory_space<vmem>>
      %dma_wait3A_1194 = tpu.memref_squeeze %dma_wait3A_1193 : memref<1x128xi32, #tpu.memory_space<vmem>> -> memref<128xi32, #tpu.memory_space<vmem>>
      %dma_wait3A_1195 = arith.constant 0 : i32
      %dma_wait3A_1196 = arith.constant 0 : i32
      %dma_wait3A_1197 = tpu.memref_slice %arg4[%dma_wait3A_1195, %dma_wait3A_1196] : memref<201x64xf32, #tpu.memory_space<hbm>> -> memref<201x64xf32, #tpu.memory_space<hbm>>
      tpu.wait_indirect_dma semaphore(%arg11 : memref<!tpu.dma_semaphore, #tpu.memory_space<semaphore_mem>>) src(%dma_wait3A_1197 : memref<201x64xf32, #tpu.memory_space<hbm>>) dst(%dma_wait3A_1191 : memref<128x64xf32, #tpu.memory_space<vmem>>)
      %dma_wait3A_1198 = arith.constant 3 : i32
      %dma_wait3A_1199 = arith.constant 384 : i32
      %dma_wait3A_1200 = arith.constant 0 : i32
      %dma_wait3A_1201 = tpu.memref_slice %arg9[%dma_wait3A_1199, %dma_wait3A_1200] : memref<512x64xf32, #tpu.memory_space<vmem>> -> memref<128x64xf32, #tpu.memory_space<vmem>>
      %dma_wait3A_1202 = arith.constant 0 : i32
      %dma_wait3A_1203 = tpu.memref_slice %arg7[%dma_wait3A_1198, %dma_wait3A_1202] : memref<4x128xi32, #tpu.memory_space<vmem>> -> memref<1x128xi32, #tpu.memory_space<vmem>>
      %dma_wait3A_1204 = tpu.memref_squeeze %dma_wait3A_1203 : memref<1x128xi32, #tpu.memory_space<vmem>> -> memref<128xi32, #tpu.memory_space<vmem>>
      %dma_wait3A_1205 = arith.constant 0 : i32
      %dma_wait3A_1206 = arith.constant 0 : i32
      %dma_wait3A_1207 = tpu.memref_slice %arg3[%dma_wait3A_1205, %dma_wait3A_1206] : memref<100000x64xf32, #tpu.memory_space<hbm>> -> memref<100000x64xf32, #tpu.memory_space<hbm>>
      tpu.wait_indirect_dma semaphore(%arg11 : memref<!tpu.dma_semaphore, #tpu.memory_space<semaphore_mem>>) src(%dma_wait3A_1207 : memref<100000x64xf32, #tpu.memory_space<hbm>>) dst(%dma_wait3A_1201 : memref<128x64xf32, #tpu.memory_space<vmem>>)
      %dma_wait3A_1208 = arith.constant 3 : i32
      %dma_wait3A_1209 = arith.constant 384 : i32
      %dma_wait3A_1210 = arith.constant 0 : i32
      %dma_wait3A_1211 = tpu.memref_slice %arg10[%dma_wait3A_1209, %dma_wait3A_1210] : memref<512x64xf32, #tpu.memory_space<vmem>> -> memref<128x64xf32, #tpu.memory_space<vmem>>
      %dma_wait3A_1212 = arith.constant 0 : i32
      %dma_wait3A_1213 = tpu.memref_slice %arg8[%dma_wait3A_1208, %dma_wait3A_1212] : memref<4x128xi32, #tpu.memory_space<vmem>> -> memref<1x128xi32, #tpu.memory_space<vmem>>
      %dma_wait3A_1214 = tpu.memref_squeeze %dma_wait3A_1213 : memref<1x128xi32, #tpu.memory_space<vmem>> -> memref<128xi32, #tpu.memory_space<vmem>>
      %dma_wait3A_1215 = arith.constant 0 : i32
      %dma_wait3A_1216 = arith.constant 0 : i32
      %dma_wait3A_1217 = tpu.memref_slice %arg4[%dma_wait3A_1215, %dma_wait3A_1216] : memref<201x64xf32, #tpu.memory_space<hbm>> -> memref<201x64xf32, #tpu.memory_space<hbm>>
      tpu.wait_indirect_dma semaphore(%arg11 : memref<!tpu.dma_semaphore, #tpu.memory_space<semaphore_mem>>) src(%dma_wait3A_1217 : memref<201x64xf32, #tpu.memory_space<hbm>>) dst(%dma_wait3A_1211 : memref<128x64xf32, #tpu.memory_space<vmem>>)
      %scan3A_1218 = arith.constant 0 : i32
      %scan3A_1219 = arith.constant 0 : i32
      %scan3A_1220 = arith.constant 512 : i32
      %scan3A_1221 = arith.addi %scan3A_1219, %scan3A_1220 : i32
      %scan3A_1222 = arith.constant 1 : i32
      scf.for %scan3A_1224 = %scan3A_1219 to %scan3A_1221 step %scan3A_1222  : i32 {
        %get3A_1225 = arith.index_cast %scan3A_1224 : i32 to index
        %get3A_1226 = arith.constant 0 : index
        %get3A_1227 = tpu.vector_load %arg9[%get3A_1225, %get3A_1226] {strides = array<i32>} : memref<512x64xf32, #tpu.memory_space<vmem>>, vector<1x16xf32>,
        %get3A_1228 = vector.shape_cast %get3A_1227 : vector<1x16xf32> to vector<16xf32>
        %get3A_1229 = arith.index_cast %scan3A_1224 : i32 to index
        %get3A_1230 = arith.constant 0 : index
        %get3A_1231 = tpu.vector_load %arg10[%get3A_1229, %get3A_1230] {strides = array<i32>} : memref<512x64xf32, #tpu.memory_space<vmem>>, vector<1x16xf32>,
        %get3A_1232 = vector.shape_cast %get3A_1231 : vector<1x16xf32> to vector<16xf32>
        %add3A_1233 = arith.addf %get3A_1228, %get3A_1232 : vector<16xf32>
        %swap3A_1234 = arith.index_cast %scan3A_1224 : i32 to index
        %swap3A_1235 = arith.constant 0 : index
        %swap3A_1236 = tpu.vector_load %arg9[%swap3A_1234, %swap3A_1235] {strides = array<i32>} : memref<512x64xf32, #tpu.memory_space<vmem>>, vector<1x16xf32>,
        %swap3A_1237 = vector.shape_cast %swap3A_1236 : vector<1x16xf32> to vector<16xf32>
        %swap3A_1238 = vector.shape_cast %add3A_1233 : vector<16xf32> to vector<1x16xf32>
        tpu.vector_store %arg9[%swap3A_1234, %swap3A_1235], %swap3A_1238 {strides = array<i32>} : memref<512x64xf32, #tpu.memory_space<vmem>>, vector<1x16xf32>,
        %get3A_1239 = arith.index_cast %scan3A_1224 : i32 to index
        %get3A_1240 = arith.constant 16 : index
        %get3A_1241 = tpu.vector_load %arg9[%get3A_1239, %get3A_1240] {strides = array<i32>} : memref<512x64xf32, #tpu.memory_space<vmem>>, vector<1x16xf32>,
        %get3A_1242 = vector.shape_cast %get3A_1241 : vector<1x16xf32> to vector<16xf32>
        %get3A_1243 = arith.index_cast %scan3A_1224 : i32 to index
        %get3A_1244 = arith.constant 16 : index
        %get3A_1245 = tpu.vector_load %arg10[%get3A_1243, %get3A_1244] {strides = array<i32>} : memref<512x64xf32, #tpu.memory_space<vmem>>, vector<1x16xf32>,
        %get3A_1246 = vector.shape_cast %get3A_1245 : vector<1x16xf32> to vector<16xf32>
        %add3A_1247 = arith.addf %get3A_1242, %get3A_1246 : vector<16xf32>
        %swap3A_1248 = arith.index_cast %scan3A_1224 : i32 to index
        %swap3A_1249 = arith.constant 16 : index
        %swap3A_1250 = tpu.vector_load %arg9[%swap3A_1248, %swap3A_1249] {strides = array<i32>} : memref<512x64xf32, #tpu.memory_space<vmem>>, vector<1x16xf32>,
        %swap3A_1251 = vector.shape_cast %swap3A_1250 : vector<1x16xf32> to vector<16xf32>
        %swap3A_1252 = vector.shape_cast %add3A_1247 : vector<16xf32> to vector<1x16xf32>
        tpu.vector_store %arg9[%swap3A_1248, %swap3A_1249], %swap3A_1252 {strides = array<i32>} : memref<512x64xf32, #tpu.memory_space<vmem>>, vector<1x16xf32>,
        %get3A_1253 = arith.index_cast %scan3A_1224 : i32 to index
        %get3A_1254 = arith.constant 32 : index
        %get3A_1255 = tpu.vector_load %arg9[%get3A_1253, %get3A_1254] {strides = array<i32>} : memref<512x64xf32, #tpu.memory_space<vmem>>, vector<1x16xf32>,
        %get3A_1256 = vector.shape_cast %get3A_1255 : vector<1x16xf32> to vector<16xf32>
        %get3A_1257 = arith.index_cast %scan3A_1224 : i32 to index
        %get3A_1258 = arith.constant 32 : index
        %get3A_1259 = tpu.vector_load %arg10[%get3A_1257, %get3A_1258] {strides = array<i32>} : memref<512x64xf32, #tpu.memory_space<vmem>>, vector<1x16xf32>,
        %get3A_1260 = vector.shape_cast %get3A_1259 : vector<1x16xf32> to vector<16xf32>
        %add3A_1261 = arith.addf %get3A_1256, %get3A_1260 : vector<16xf32>
        %swap3A_1262 = arith.index_cast %scan3A_1224 : i32 to index
        %swap3A_1263 = arith.constant 32 : index
        %swap3A_1264 = tpu.vector_load %arg9[%swap3A_1262, %swap3A_1263] {strides = array<i32>} : memref<512x64xf32, #tpu.memory_space<vmem>>, vector<1x16xf32>,
        %swap3A_1265 = vector.shape_cast %swap3A_1264 : vector<1x16xf32> to vector<16xf32>
        %swap3A_1266 = vector.shape_cast %add3A_1261 : vector<16xf32> to vector<1x16xf32>
        tpu.vector_store %arg9[%swap3A_1262, %swap3A_1263], %swap3A_1266 {strides = array<i32>} : memref<512x64xf32, #tpu.memory_space<vmem>>, vector<1x16xf32>,
        %get3A_1267 = arith.index_cast %scan3A_1224 : i32 to index
        %get3A_1268 = arith.constant 48 : index
        %get3A_1269 = tpu.vector_load %arg9[%get3A_1267, %get3A_1268] {strides = array<i32>} : memref<512x64xf32, #tpu.memory_space<vmem>>, vector<1x16xf32>,
        %get3A_1270 = vector.shape_cast %get3A_1269 : vector<1x16xf32> to vector<16xf32>
        %get3A_1271 = arith.index_cast %scan3A_1224 : i32 to index
        %get3A_1272 = arith.constant 48 : index
        %get3A_1273 = tpu.vector_load %arg10[%get3A_1271, %get3A_1272] {strides = array<i32>} : memref<512x64xf32, #tpu.memory_space<vmem>>, vector<1x16xf32>,
        %get3A_1274 = vector.shape_cast %get3A_1273 : vector<1x16xf32> to vector<16xf32>
        %add3A_1275 = arith.addf %get3A_1270, %get3A_1274 : vector<16xf32>
        %swap3A_1276 = arith.index_cast %scan3A_1224 : i32 to index
        %swap3A_1277 = arith.constant 48 : index
        %swap3A_1278 = tpu.vector_load %arg9[%swap3A_1276, %swap3A_1277] {strides = array<i32>} : memref<512x64xf32, #tpu.memory_space<vmem>>, vector<1x16xf32>,
        %swap3A_1279 = vector.shape_cast %swap3A_1278 : vector<1x16xf32> to vector<16xf32>
        %swap3A_1280 = vector.shape_cast %add3A_1275 : vector<16xf32> to vector<1x16xf32>
        tpu.vector_store %arg9[%swap3A_1276, %swap3A_1277], %swap3A_1280 {strides = array<i32>} : memref<512x64xf32, #tpu.memory_space<vmem>>, vector<1x16xf32>,
      }
      %scan3A_1223 = arith.constant 512 : i32
      "tpu.region"() ({
        %run_scoped3A = tpu.sem_alloc : memref<!tpu.dma_semaphore, #tpu.memory_space<semaphore_mem>>
        %dma_start3A_1224 = arith.constant 0 : i32
        %dma_start3A_1225 = tpu.memref_slice %arg5[%add3A_11, %dma_start3A_1224] : memref<819200x64xf32, #tpu.memory_space<hbm>> -> memref<512x64xf32, #tpu.memory_space<hbm>>
        %dma_start3A_1226 = arith.constant 0 : i32
        %dma_start3A_1227 = tpu.memref_slice %arg5[%add3A_11, %dma_start3A_1226] : memref<819200x64xf32, #tpu.memory_space<hbm>> -> memref<512x64xf32, #tpu.memory_space<hbm>>
        tpu.enqueue_dma source(%arg9 : memref<512x64xf32, #tpu.memory_space<vmem>>) target(%dma_start3A_1227 : memref<512x64xf32, #tpu.memory_space<hbm>>) target_semaphore(%run_scoped3A : memref<!tpu.dma_semaphore, #tpu.memory_space<semaphore_mem>>)
        %dma_wait3A_1228 = arith.constant 0 : i32
        %dma_wait3A_1229 = tpu.memref_slice %arg5[%add3A_11, %dma_wait3A_1228] : memref<819200x64xf32, #tpu.memory_space<hbm>> -> memref<512x64xf32, #tpu.memory_space<hbm>>
        %dma_wait3A_1230 = arith.constant 0 : i32
        %dma_wait3A_1231 = tpu.memref_slice %arg5[%add3A_11, %dma_wait3A_1230] : memref<819200x64xf32, #tpu.memory_space<hbm>> -> memref<512x64xf32, #tpu.memory_space<hbm>>
        tpu.wait_dma2 semaphore(%run_scoped3A : memref<!tpu.dma_semaphore, #tpu.memory_space<semaphore_mem>>) src(%arg9 : memref<512x64xf32, #tpu.memory_space<vmem>>) dst(%dma_wait3A_1231 : memref<512x64xf32, #tpu.memory_space<hbm>>)
        tpu.yield
      }) : () -> ()
    }
    %scan3A_7 = arith.constant 50 : i32
    return
  }
}

</mosaic_0001>

<sc_bundles>
// kernel: kernel.3.cloned.1.call-start
scs
__scs_entry_jumppad:
0x0: {  	(pc) =	sbr.rel $0x88, $3  }
0x1: {  	(tag) =	ssettag $0x0;
	lr =	simm.s32 $0x1  }
0x2: {  	[smem:$0x3F9E] =	sst lr;
	_ =	strace $0xD0000000  }
0x3: {  	_ = 	snop  }
0x4: {  	_ = 	snop  }
0x5: {  	_ = 	snop  }
0x6: {  	_ = 	snop  }
0x7: {  	_ = 	snop  }
__scs_overlays_trampoline_lowered:
0x8: {  	[smem:$0x3FAD] =	sst s0  }
0x9: {  	[smem:$0x3FAE] =	sst s1  }
0xa: {  	[smem:$0x3FAF] =	sst s2  }
0xb: {  	[smem:$0x3FB0] =	sst s3  }
0xc: {  	[smem:$0x3FB1] =	sst s4  }
0xd: {  	[smem:$0x3FB2] =	sst s5  }
0xe: {  	[smem:$0x3FB3] =	sst s6  }
0xf: {  	[smem:$0x3FB4] =	sst s7  }
0x10: {  	[smem:$0x3FB5] =	sst s8  }
0x11: {  	[smem:$0x3FB6] =	sst s9;
	s0 =	simm.s32 @!p0 $0x0  }
0x12: {  	s1 =	sld [smem:$0x3F9C];
	s0 =	simm.s32 @p0 $0x1  }
0x13: {  	[smem:$0x3FB7] =	sst s0;
	s0 =	simm.s32 @!p1 $0x0  }
0x14: {  	s2 =	sld [smem:$0x3F9B];
	s0 =	simm.s32 @p1 $0x1  }
0x15: {  	[smem:$0x3FB8] =	sst s0;
	s0 =	simm.s32 @!p2 $0x0  }
0x16: {  	s3 =	sld [smem:$0x3FDB];
	s0 =	simm.s32 @p2 $0x1  }
0x17: {  	s4 =	simm.s32 $0x1BF5;
	[smem:$0x3FBA] =	sst s0  }
0x18: {  	s0 =	sld [smem:$0x3F9D];
	_ =	swait.ge [sflag:s4], $0x0  }
0x19: {  	s7 =	sld [smem:$0x3F9E]  }
0x1a: {  	s8 =	sadd.s32 $0xFFFFE003, lr  }
0x1b: {  	s9 =	sadd.s32 $0xFFFFFEF7, lr;
	s5 =	simm.s32 $0xFFFFFFFF;
	p2 =	slt.u32 s8, $0xFFFFF086  }
0x1c: {  	p1 =	slt.u32 s9, $0xF7A;
	s5 =	simm.s32 @!p2 $0x0  }
0x1d: {  	s5 =	simm.s32 @p1 $0x1;
	p0 =	seq.s32 s7, s2  }
0x1e: {  	s7 =	smul.u32 @!p0 $0xF7A, s2;
	p2 =	seq.s32 @!p0 s5, $0x0  }
0x1f: {  	s9 =	smul.u32 $0xF7A, s1;
	s8 =	simm.s32 @!p0 $0x1BF5;
	p2 =	por !p2, p0  }
0x20: {  	[sflag:s8] =	ssyncset.s32 @!p0 $0xFFFFF086;
	s6 =	sadd.s32 @!p0 s3, s7;
	s7 =	simm.s32 @!p0 $0x108  }
0x21: {  	s3 =	sadd.s32 s3, s9;
	s6 =	sadd.s32 @!p0 $0x88, s6;
	s7 =	simm.s32 @p2 $0x1082  }
0x22: {  	[simem:s7], [sflag:s8] =	dma.local @!p0 [hbm:s6], $0xF7A  }
0x23: {  	s9 =	sor.u32 $0xD0000000, s2;
	s6 =	simm.s32 $0x108;
	_ =	swait.ge @!p0 [sflag:s8], $0x0  }
0x24: {  	s3 =	sadd.s32 $0x88, s3;
	s6 =	simm.s32 @!p1 $0x1082;
	[sflag:s4] =	ssyncset.s32 $0xFFFFF086  }
0x25: {  	[simem:s6], [sflag:s4] =	dma.local [hbm:s3], $0xF7A  }
0x26: {  	[smem:$0x3F9E] =	sst s1;
	(tag) =	ssettag s2;
	_ =	strace s9  }
0x27: {  	s1 =	sld [smem:$0x3FAE]  }
0x28: {  	s2 =	sld [smem:$0x3FAF]  }
0x29: {  	s4 =	sld [smem:$0x3FB1]  }
0x2a: {  	p0 =	seq.s32 s5, $0x0;
	s5 =	sld [smem:$0x3FB2]  }
0x2b: {  	s6 =	sld [smem:$0x3FB3]  }
0x2c: {  	s7 =	sld [smem:$0x3FB4]  }
0x2d: {  	s3 =	simm.s32 $0x108;
	s8 =	sld [smem:$0x3FB5]  }
0x2e: {  	s3 =	simm.s32 @!p0 $0x1082;
	s9 =	sld [smem:$0x3FB6]  }
0x2f: {  	lr =	sadd.s32 s0, s3;
	s0 =	sld [smem:$0x3FAD]  }
0x30: {  	s3 =	sld [smem:$0x3FB0]  }
0x31: {  	[smem:$0x3FB9] =	sst s10  }
0x32: {  	s10 =	sld [smem:$0x3FB7];
	_ =	sdelay $0x3  }
0x33: {  	p0 =	seq.s32 s10, $0x1;
	s10 =	sld [smem:$0x3FB9];
	_ =	sdelay $0x3  }
0x34: {  	[smem:$0x3FB9] =	sst s10  }
0x35: {  	s10 =	sld [smem:$0x3FB8];
	_ =	sdelay $0x3  }
0x36: {  	p1 =	seq.s32 s10, $0x1;
	s10 =	sld [smem:$0x3FB9];
	_ =	sdelay $0x3  }
0x37: {  	[smem:$0x3FB9] =	sst s10  }
0x38: {  	s10 =	sld [smem:$0x3FBA]  }
0x39: {  	_ = 	snop;
	(pc) =	sbr.ind lr, $3  }
0x3a: {  	_ = 	snop  }
0x3b: {  	_ = 	snop  }
0x3c: {  	p2 =	seq.s32 s10, $0x1;
	s10 =	sld [smem:$0x3FB9]  }
0x3d: {  	_ =	shalt  }
0x3e: {  	_ =	shalt  }
0x3f: {  	_ =	shalt  }
0x40: {  	_ =	shalt  }
0x41: {  	_ =	shalt  }
0x42: {  	_ =	shalt  }
0x43: {  	_ =	shalt  }
0x44: {  	_ =	shalt  }
0x45: {  	_ =	shalt  }
0x46: {  	_ =	shalt  }
0x47: {  	_ =	shalt  }
0x48: {  	_ =	shalt  }
0x49: {  	_ =	shalt  }
0x4a: {  	_ =	shalt  }
0x4b: {  	_ =	shalt  }
0x4c: {  	_ =	shalt  }
0x4d: {  	_ =	shalt  }
0x4e: {  	_ =	shalt  }
0x4f: {  	_ =	shalt  }
0x50: {  	_ =	shalt  }
0x51: {  	_ =	shalt  }
0x52: {  	_ =	shalt  }
0x53: {  	_ =	shalt  }
0x54: {  	_ =	shalt  }
0x55: {  	_ =	shalt  }
0x56: {  	_ =	shalt  }
0x57: {  	_ =	shalt  }
0x58: {  	_ =	shalt  }
0x59: {  	_ =	shalt  }
0x5a: {  	_ =	shalt  }
0x5b: {  	_ =	shalt  }
0x5c: {  	_ =	shalt  }
0x5d: {  	_ =	shalt  }
0x5e: {  	_ =	shalt  }
0x5f: {  	_ =	shalt  }
0x60: {  	_ =	shalt  }
0x61: {  	_ =	shalt  }
0x62: {  	_ =	shalt  }
0x63: {  	_ =	shalt  }
0x64: {  	_ =	shalt  }
0x65: {  	_ =	shalt  }
0x66: {  	_ =	shalt  }
0x67: {  	_ =	shalt  }
0x68: {  	_ =	shalt  }
0x69: {  	_ =	shalt  }
0x6a: {  	_ =	shalt  }
0x6b: {  	_ =	shalt  }
0x6c: {  	_ =	shalt  }
0x6d: {  	_ =	shalt  }
0x6e: {  	_ =	shalt  }
0x6f: {  	_ =	shalt  }
0x70: {  	_ =	shalt  }
0x71: {  	_ =	shalt  }
0x72: {  	_ =	shalt  }
0x73: {  	_ =	shalt  }
0x74: {  	_ =	shalt  }
0x75: {  	_ =	shalt  }
0x76: {  	_ =	shalt  }
0x77: {  	_ =	shalt  }
0x78: {  	_ =	shalt  }
0x79: {  	_ =	shalt  }
0x7a: {  	_ =	shalt  }
0x7b: {  	_ =	shalt  }
0x7c: {  	_ =	shalt  }
0x7d: {  	_ =	shalt  }
0x7e: {  	_ =	shalt  }
0x7f: {  	_ =	shalt  }
0x80: {  	_ =	shalt  }
0x81: {  	_ =	shalt  }
0x82: {  	_ =	shalt  }
0x83: {  	_ =	shalt  }
0x84: {  	_ =	shalt  }
0x85: {  	_ =	shalt  }
0x86: {  	_ =	shalt  }
0x87: {  	_ =	shalt  }
.Lfunc_end0:
.L_simem_size_0:
called_computation.1_lowered:
.L_overlay_start_0:
0x88: {  	s2 =	sld [smem:$0x3FD9]  }
0x89: {  	s3 =	sld [smem:$0x3FFE];
	_ =	sdelay $0x1  }
0x8a: {  	s1 =	srdreg.scid  }
0x8b: {  	s0 =	sand.u32 $0x1, s1  }
0x8c: {  	s17 =	sshll.u32 s0, $0xA;
	s2 =	sadd.s32 s3, s2  }
0x8d: {  	s2 =	sadd.s32 s2, s17  }
0x8e: {  	[smem:$0x3FC5] =	sst s2  }
0x8f: {  	_ = 	snop  }
0x90: {  	s2 =	sld [smem:$0x3FD0];
	(tm) =	ssettm $0x1  }
0x91: {  	s18 =	sld [smem:$0x3FFB];
	_ =	sdelay $0x3  }
0x92: {  	_ =	strace s18  }
0x93: {  	s3 =	sld [smem:$0x3FFC];
	_ =	sdelay $0x3  }
0x94: {  	_ =	strace s3  }
0x95: {  	s3 =	sld [smem:$0x3FFD];
	_ =	sdelay $0x3  }
0x96: {  	_ =	strace s3  }
0x97: {  	_ =	strace $0x8FFFFFFF  }
0x98: {  	s19 =	sld [smem:$0x3FDB];
	_ =	sdelay $0x1  }
0x99: {  	s4 =	simm.s32 $_scs_section_size  }
0x9a: {  	s5 =	simm.s32 $_size__tile_overlayer_lowered;
	s6 =	simm.s32 $_tile_overlayer_lowered  }
0x9b: {  	s22 =	simm.s32 $0x1BFF;
	s21 =	sshll.u32 s6, $0x1;
	s3 =	sadd.s32 s4, s19  }
0x9c: {  	s7 =	simm.s32 $0x0;
	s20 =	sshll.u32 s5, $0x1;
	s5 =	sadd.s32 s21, s3  }
0x9d: {  	[timem:s7], [sflag:s22] =	dma.local [hbm:s5], s20  }
0x9e: {  	_ =	swait.ge [sflag:s22], s20  }
0x9f: {  	s4 =	ssub.s32 $0x0, s20;
	[sflag:s22] =	ssyncset.done $0x0  }
0xa0: {  	[sflag:s22] =	ssyncadd.s32 s4;
	_ =	sdelay $0x1  }
0xa1: {  	s23 =	simm.s32 $0x1B8B  }
0xa2: {  	_ =	swait.ge [sflag:s23], $0x1  }
0xa3: {  	[sflag:s23] =	ssyncset.done $0x0  }
0xa4: {  	s25 =	simm.s32 $0x1B8E;
	s24 =	sld [smem:$0x3FFE];
	[sflag:s23] =	ssyncadd.s32 $0xFFFFFFFF  }
0xa5: {  	s26 =	simm.s32 $execute0_lowered;
	[smem:$0x3FD2] =	sst s25  }
0xa6: {  	s5 =	sshll.u32 s26, $0x1;
	_ =	strace $0x80000046;
	[dreg:$0x1] =	wrdreg $0xFFFFFFFF  }
0xa7: {  	s28 =	simm.s32 $_size_execute0_lowered;
	s3 =	sadd.s32 s3, s5;
	[dreg:$0x0] =	wrdreg $0x0  }
0xa8: {  	s5 =	sshll.u32 s28, $0x1;
	[dreg:$0x2] =	wrdreg s3  }
0xa9: {  	[dreg:$0x3] =	wrdreg s5  }
0xaa: {  	[dreg:$0x4] =	wrdreg $0xC0  }
0xab: {  	_ =	task [dreg:s7], $0x5FFFF  }
0xac: {  	[dreg:$0x1] =	wrdreg $0xFFFFFFFF  }
0xad: {  	[dreg:$0x0] =	wrdreg $0x60  }
0xae: {  	[dreg:$0x2] =	wrdreg s24  }
0xaf: {  	[dreg:$0x3] =	wrdreg s2  }
0xb0: {  	[dreg:$0x4] =	wrdreg $0x9  }
0xb1: {  	_ =	task.clear_ibuf [dreg:s7], $0x5FFFF;
	_ =	strace $0x90000046  }
0xb2: {  	s29 =	simm.s32 $0x9;
	_ =	strace $0x80000048  }
0xb3: {  	_ =	swait.ge [sflag:s29], $0x1  }
0xb4: {  	[sflag:s29] =	ssyncadd.s32 $0xFFFFFFFF  }
0xb5: {  	_ =	strace $0x90000048  }
0xb6: {  	_ =	sfence  }
0xb7: {  	s30 =	sld [smem:$0x0];
	_ =	sdelay $0x2  }
0xb8: {  	s31 =	sshll.u32 s1, $0xD;
	s1 =	sshrl.u32 s1, $0x2  }
0xb9: {  	s3 =	sand.u32 $0x4000, s31;
	s1 =	sadd.s32 s1, s30  }
0xba: {  	s0 =	sor.u32 s3, s0;
	s1 =	sshll.u32 s1, $0x11  }
0xbb: {  	s0 =	sor.u32 s1, s0  }
0xbc: {  	s0 =	sadd.s32 $0x8F2B, s0  }
0xbd: {  	[sflag:s0] =	ssyncadd.remote.s32 $0x1  }
0xbe: {  	_ =	sfence.sel $0xFFFF  }
0xbf: {  	[dreg:$0x0] =	wrdreg $0xFFFFFFFF;
	(pc) =	sbr.abs _section_cstart, $3  }
0xc0: {  	[dreg:$0x1] =	wrdreg $0xFFFFFFFF  }
0xc1: {  	_ =	task.clear_ibuf [dreg:s7], $0x2FFFF;
	_ =	strace $0x9FFFFFFF  }
0xc2: {  	(tm) =	ssettm $0x7FFFFFFF  }
0xc3: {  	_ =	shalt  }
tec
execute0_lowered:
.L_overlay_start_1:
0x0: {  	(tag) =	ssettag $0x1  }
0x1: {  	s0 =	rddreg [dreg:$0x0]  }
0x2: {  	s1 =	rddreg [dreg:$0x1];
	s3 =	simm.s32 $0x0  }
0x3: {  	s2 =	srdreg.scid;
	s5 =	stileid.u32;
	s9 =	simm.s32 $0x2  }
0x4: {  	s10 =	simm.s32 $0x80;
	s11 =	simm.s32 $0x200;
	s12 =	simm.s32 $0x600  }
0x5: {  	s13 =	simm.s32 $0x400;
	s14 =	simm.s32 $0x8600;
	s15 =	simm.s32 $0x280  }
0x6: {  	s16 =	simm.s32 $0x2600;
	s17 =	simm.s32 $0x480;
	s18 =	simm.s32 $0xA600  }
0x7: {  	s19 =	simm.s32 $0x300;
	s20 =	simm.s32 $0x4600;
	s21 =	simm.s32 $0x500  }
0x8: {  	s22 =	simm.s32 $0xC600;
	s23 =	simm.s32 $0x380;
	s24 =	simm.s32 $0x6600  }
0x9: {  	s25 =	simm.s32 $0x580;
	s26 =	simm.s32 $0xE600;
	s2 =	sand.u32 $0x1, s2  }
0xa: {  	s28 =	simm.s32 $0x1;
	s29 =	simm.s32 $0x0;
	s7 =	ssub.s32 $0x2, s2  }
0xb: {  	[smem:$0x7FF] =	sst s3;
	s4 =	sadd.s32 $0x1000, s0;
	s8 =	sshrl.u32 s7, $0x1  }
0xc: {  	s6 =	sshll.u32 s5, $0x1;
	s5 =	sadd.s32 $0x1A000, s0;
	s31 =	ssub.s32 s7, s8  }
0xd: {  	s2 =	sor.u32 s2, s6;
	s6 =	sadd.s32 $0x800, s0;
	s0 =	smax.u32 s31, $0x1  }
0xe: {  	v0 =	vlaneseq.u32;
	_ =	strace $0x80000047;
	s7 =	smul.u32 $0x6400, s2;
	[dreg:$0x3] =	wrdreg s0  }
.LBB2_1:
0xf: {  	s30 =	simm.s32 $0x0  }
.LBB2_2:
0x10: {  	s0 =	sshll.u32 s30, $0x9  }
0x11: {  	s31 =	sadd.s32 s7, s0  }
0x12: {  	s0 =	sshrl.u32 s31, $0x3  }
0x13: {  	s2 =	simm.s32 $0x0;
	v1 =	vor.u32 s31, v0;
	s8 =	sor.u32 $0x10, s31;
	s0 =	sadd.s32 s4, s0  }
0x14: {  	v2 =	vmulhi.u32 $0x51EB851F, v1;
	v3 =	vor.u32 s8, v0;
	[tilespmem:s2], [sflag:$0x2] =	stream.linear.gather [hbm4b:s0+s2], $0x200, $0x38;
	[tilespmem:$0x10600] =	vst v63  }
0x15: {  	v5 =	vmulhi.u32 $0x51EB851F, v3;
	_ =	swait.ge [sflag:s9], $0x200  }
0x16: {  	s2 =	sor.u32 $0x20, s31;
	v2 =	vshrl.u32 v2, $0x6;
	[sflag:s9] =	ssyncset.done $0x0  }
0x17: {  	v7 =	vor.u32 s2, v0;
	s2 =	sor.u32 $0x40, s31;
	v2 =	vmul.u32 $0xC8, v2;
	v5 =	vshrl.u32 v5, $0x6;
	[sflag:s9] =	ssyncadd.s32 $0xFFFFFE00  }
0x18: {  	v8 =	vmulhi.u32 $0x51EB851F, v7;
	v46 =	vor.u32 s2, v0;
	s2 =	sor.u32 $0x60, s31;
	v5 =	vmul.u32 $0xC8, v5;
	v4 =	vld [tilespmem:$0x0]  }
0x19: {  	v48 =	vmulhi.u32 $0x51EB851F, v46;
	v15 =	vor.u32 s2, v0;
	s2 =	sor.u32 $0x80, s31;
	v6 =	vld [tilespmem:$0x10];
	v1 =	vsub.s32 v1, v2  }
0x1a: {  	s8 =	sor.u32 $0x30, s31;
	v2 =	vld [tilespmem:$0x20];
	v16 =	vmulhi.u32 $0x51EB851F, v15;
	v55 =	vor.u32 s2, v0;
	v9 =	vadd.s32 $0x185D8, v1  }
0x1b: {  	v11 =	vld [tilespmem:$0x30];
	s2 =	sor.u32 $0xA0, s31;
	v3 =	vsub.s32 v3, v5;
	v5 =	vshrl.u32 v8, $0x6;
	v8 =	vor.u32 s8, v0  }
0x1c: {  	v47 =	vld [tilespmem:$0x40];
	s8 =	sor.u32 $0x50, s31;
	v22 =	vmulhi.u32 $0x51EB851F, v55;
	v23 =	vor.u32 s2, v0;
	v10 =	vadd.s32 $0x185D8, v3  }
0x1d: {  	v49 =	vld [tilespmem:$0x50];
	s2 =	sor.u32 $0xC0, s31;
	v5 =	vmul.u32 $0xC8, v5;
	v12 =	vmulhi.u32 $0x51EB851F, v8;
	v13 =	vor.u32 s8, v0  }
0x1e: {  	v51 =	vld [tilespmem:$0x60];
	v16 =	vshrl.u32 v16, $0x6;
	s8 =	sor.u32 $0x70, s31;
	v24 =	vmulhi.u32 $0x51EB851F, v23;
	v33 =	vor.u32 s2, v0  }
0x1f: {  	v53 =	vld [tilespmem:$0x70];
	s2 =	sor.u32 $0xE0, s31;
	v14 =	vmulhi.u32 $0x51EB851F, v13;
	v16 =	vmul.u32 $0xC8, v16;
	v52 =	vor.u32 s8, v0  }
0x20: {  	v21 =	vld [tilespmem:$0x80];
	v56 =	vshrl.u32 v22, $0x6;
	v28 =	vmulhi.u32 $0x51EB851F, v33;
	v38 =	vor.u32 s2, v0  }
0x21: {  	v59 =	vld [tilespmem:$0x90];
	s8 =	sor.u32 $0x90, s31;
	v5 =	vsub.s32 v7, v5;
	v7 =	vshrl.u32 v12, $0x6;
	v12 =	vshrl.u32 v48, $0x6  }
0x22: {  	v61 =	vld [tilespmem:$0xA0];
	s2 =	sor.u32 $0x100, s31;
	v18 =	vmulhi.u32 $0x51EB851F, v52;
	v58 =	vor.u32 s8, v0;
	v62 =	vshrl.u32 v24, $0x6  }
0x23: {  	v63 =	vld [tilespmem:$0xB0];
	v40 =	vmulhi.u32 $0x51EB851F, v38;
	v43 =	vor.u32 s2, v0;
	vm0 =	veq.s32 v4, $0x0  }
0x24: {  	v34 =	vld [tilespmem:$0xC0];
	vm1 =	veq.s32 v6, $0x0;
	vm10 =	veq.s32 v2, $0x0;
	v45 =	vadd.s32 $0x185D8, v5  }
0x25: {  	v36 =	vld [tilespmem:$0xD0];
	v7 =	vmul.u32 $0xC8, v7;
	vm11 =	veq.s32 v11, $0x0;
	v12 =	vmul.u32 $0xC8, v12  }
0x26: {  	vm12 =	veq.s32 v47, $0x0;
	v50 =	vshrl.u32 v14, $0x6;
	vm13 =	veq.s32 v49, $0x0  }
0x27: {  	s8 =	sor.u32 $0xB0, s31;
	v15 =	vsub.s32 v15, v16;
	vm14 =	veq.s32 v51, $0x0;
	vm15 =	veq.s32 v53, $0x0  }
0x28: {  	v60 =	vmulhi.u32 $0x51EB851F, v58;
	vm4 =	veq.s32 v21, $0x0;
	v25 =	vor.u32 s8, v0  }
0x29: {  	v39 =	vld [tilespmem:$0xE0];
	vm5 =	veq.s32 v59, $0x0;
	vm6 =	veq.s32 v61, $0x0;
	vm7 =	veq.s32 v63, $0x0  }
0x2a: {  	vm8 =	veq.s32 v34, $0x0;
	vm9 =	veq.s32 v36, $0x0;
	v4 =	vsel vm0, v9, v4  }
0x2b: {  	v1 =	vsel vm0, $0xC8, v1;
	v6 =	vsel vm1, v10, v6;
	v3 =	vsel vm1, $0xC8, v3  }
0x2c: {  	v2 =	vsel vm10, v45, v2;
	v5 =	vsel vm10, $0xC8, v5;
	v54 =	vshrl.u32 v18, $0x6  }
0x2d: {  	s8 =	sor.u32 $0xD0, s31;
	v20 =	vadd.s32 $0x185D8, v15;
	v15 =	vsel vm14, $0xC8, v15;
	v26 =	vmulhi.u32 $0x51EB851F, v25  }
0x2e: {  	v35 =	vor.u32 s8, v0;
	v45 =	vmulhi.u32 $0x51EB851F, v43;
	vm10 =	veq.s32 v39, $0x0  }
0x2f: {  	v7 =	vsub.s32 v8, v7;
	v10 =	vsub.s32 v46, v12;
	v12 =	vmul.u32 $0xC8, v50  }
0x30: {  	s8 =	sor.u32 $0xF0, s31;
	v16 =	vmul.u32 $0xC8, v54;
	v14 =	vsel vm14, v20, v51;
	v22 =	vshrl.u32 v60, $0x6  }
0x31: {  	[tilespmem:$0x200] =	vst v4;
	v4 =	vshrl.u32 v28, $0x6;
	v30 =	vmulhi.u32 $0x51EB851F, v35;
	v41 =	vor.u32 s8, v0  }
0x32: {  	v44 =	vld [tilespmem:$0xF0];
	v8 =	vadd.s32 $0x185D8, v7;
	v7 =	vsel vm11, $0xC8, v7;
	v17 =	vadd.s32 $0x185D8, v10  }
0x33: {  	v10 =	vsel vm12, $0xC8, v10;
	v22 =	vmul.u32 $0xC8, v22;
	v26 =	vshrl.u32 v26, $0x6  }
0x34: {  	s8 =	sor.u32 $0x110, s31;
	v4 =	vmul.u32 $0xC8, v4;
	v42 =	vmulhi.u32 $0x51EB851F, v41;
	v48 =	vshrl.u32 v45, $0x6  }
0x35: {  	v50 =	vor.u32 s8, v0;
	v8 =	vsel vm11, v8, v11;
	v9 =	vsel vm12, v17, v47  }
0x36: {  	v12 =	vsub.s32 v13, v12;
	v16 =	vsub.s32 v52, v16;
	v17 =	vmul.u32 $0xC8, v56  }
0x37: {  	v26 =	vmul.u32 $0xC8, v26;
	v52 =	vmulhi.u32 $0x51EB851F, v50;
	vm11 =	veq.s32 v44, $0x0  }
0x38: {  	v19 =	vadd.s32 $0x185D8, v12;
	v12 =	vsel vm13, $0xC8, v12;
	v57 =	vadd.s32 $0x185D8, v16  }
0x39: {  	[tilespmem:$0x410] =	vst v3;
	v16 =	vsel vm15, $0xC8, v16;
	v20 =	vsub.s32 v58, v22;
	v22 =	vmul.u32 $0xC8, v62  }
0x3a: {  	s8 =	sor.u32 $0x130, s31;
	v3 =	vsub.s32 v33, v4;
	v4 =	vshrl.u32 v30, $0x6;
	[tilespmem:$0x230] =	vst v8;
	v8 =	vshrl.u32 v40, $0x6  }
0x3b: {  	[tilespmem:$0x240] =	vst v9;
	v9 =	vshrl.u32 v42, $0x6;
	v62 =	vor.u32 s8, v0;
	v11 =	vsel vm13, v19, v49  }
0x3c: {  	[tilespmem:$0x400] =	vst v1;
	v13 =	vsel vm15, v57, v53;
	v17 =	vsub.s32 v55, v17;
	v27 =	vadd.s32 $0x185D8, v20  }
0x3d: {  	v32 =	vld [tilespmem:$0x150];
	[tilespmem:$0x220] =	vst v2;
	v20 =	vsel vm5, $0xC8, v20;
	v25 =	vsub.s32 v25, v26;
	v2 =	vadd.s32 $0x185D8, v3  }
0x3e: {  	[tilespmem:$0x210] =	vst v6;
	v46 =	vld [tilespmem:$0x100];
	v4 =	vmul.u32 $0xC8, v4;
	v3 =	vsel vm8, $0xC8, v3;
	v8 =	vmul.u32 $0xC8, v8  }
0x3f: {  	s2 =	sor.u32 $0x120, s31;
	[tilespmem:$0x420] =	vst v5;
	v51 =	vld [tilespmem:$0x110];
	v9 =	vmul.u32 $0xC8, v9;
	v49 =	vmul.u32 $0xC8, v48;
	v54 =	vshrl.u32 v52, $0x6  }
0x40: {  	[tilespmem:$0x460] =	vst v15;
	v55 =	vor.u32 s2, v0;
	v26 =	vmulhi.u32 $0x51EB851F, v62;
	v18 =	vadd.s32 $0x185D8, v17  }
0x41: {  	[tilespmem:$0x260] =	vst v14;
	v17 =	vsel vm4, $0xC8, v17;
	v19 =	vsel vm5, v27, v59;
	v22 =	vsub.s32 v23, v22  }
0x42: {  	[tilespmem:$0x430] =	vst v7;
	v1 =	vadd.s32 $0x185D8, v25;
	v5 =	vsel vm7, $0xC8, v25;
	v2 =	vsel vm8, v2, v34  }
0x43: {  	v45 =	vld [tilespmem:$0x180];
	[tilespmem:$0x470] =	vst v16;
	s2 =	sor.u32 $0x140, s31;
	vm12 =	veq.s32 v46, $0x0;
	v16 =	vmul.u32 $0xC8, v54;
	v58 =	vmulhi.u32 $0x51EB851F, v55  }
0x44: {  	[tilespmem:$0x440] =	vst v10;
	vm13 =	veq.s32 v51, $0x0;
	v27 =	vor.u32 s2, v0;
	vm5 =	veq.s32 v32, $0x0  }
0x45: {  	[tilespmem:$0x450] =	vst v12;
	v18 =	vsel vm4, v18, v21;
	v29 =	vadd.s32 $0x185D8, v22;
	v1 =	vsel vm7, v1, v63  }
0x46: {  	[tilespmem:$0x250] =	vst v11;
	v37 =	vsel vm6, $0xC8, v22;
	v4 =	vsub.s32 v35, v4;
	v8 =	vsub.s32 v38, v8  }
0x47: {  	s2 =	sor.u32 $0x160, s31;
	v9 =	vsub.s32 v41, v9;
	v14 =	vsub.s32 v43, v49;
	[tilespmem:$0x480] =	vst v17;
	v17 =	vshrl.u32 v26, $0x6  }
0x48: {  	[tilespmem:$0x270] =	vst v13;
	v28 =	vmulhi.u32 $0x51EB851F, v27;
	v34 =	vor.u32 s2, v0;
	vm8 =	veq.s32 v45, $0x0  }
0x49: {  	[tilespmem:$0x490] =	vst v20;
	v6 =	vsel vm6, v29, v61;
	v7 =	vadd.s32 $0x185D8, v4;
	v4 =	vsel vm9, $0xC8, v4  }
0x4a: {  	[tilespmem:$0x4C0] =	vst v3;
	v47 =	vadd.s32 $0x185D8, v8;
	v8 =	vsel vm10, $0xC8, v8;
	v53 =	vadd.s32 $0x185D8, v9  }
0x4b: {  	s8 =	sor.u32 $0x150, s31;
	v30 =	vld [tilespmem:$0x140];
	[tilespmem:$0x290] =	vst v19;
	v56 =	vadd.s32 $0x185D8, v14;
	v9 =	vsel vm11, $0xC8, v9;
	v59 =	vsub.s32 v50, v16  }
0x4c: {  	v40 =	vld [tilespmem:$0x170];
	[tilespmem:$0x4B0] =	vst v5;
	v60 =	vshrl.u32 v58, $0x6;
	v5 =	vmul.u32 $0xC8, v17;
	v29 =	vor.u32 s8, v0  }
0x4d: {  	v57 =	vld [tilespmem:$0x120];
	[tilespmem:$0x2C0] =	vst v2;
	v7 =	vsel vm9, v7, v36;
	v12 =	vsel vm10, v47, v39;
	v10 =	vsel vm11, v53, v44  }
0x4e: {  	[tilespmem:$0x280] =	vst v18;
	v11 =	vsel vm12, v56, v46;
	v61 =	vadd.s32 $0x185D8, v59;
	v16 =	vmul.u32 $0xC8, v60  }
0x4f: {  	v52 =	vld [tilespmem:$0x1A0];
	s8 =	sor.u32 $0x170, s31;
	[tilespmem:$0x2A0] =	vst v6;
	v6 =	vsel vm12, $0xC8, v14;
	v13 =	vsel vm13, $0xC8, v59;
	v31 =	vmulhi.u32 $0x51EB851F, v29  }
0x50: {  	v25 =	vld [tilespmem:$0x130];
	s2 =	sor.u32 $0x180, s31;
	[tilespmem:$0x4A0] =	vst v37;
	v36 =	vmulhi.u32 $0x51EB851F, v34;
	vm4 =	veq.s32 v30, $0x0;
	v38 =	vor.u32 s8, v0  }
0x51: {  	[tilespmem:$0x2B0] =	vst v1;
	v44 =	vor.u32 s2, v0;
	vm7 =	veq.s32 v40, $0x0;
	v63 =	vsel vm13, v61, v51  }
0x52: {  	[tilespmem:$0x4D0] =	vst v4;
	s8 =	sor.u32 $0x190, s31;
	vm14 =	veq.s32 v57, $0x0;
	v3 =	vsub.s32 v62, v5;
	v41 =	vmulhi.u32 $0x51EB851F, v38  }
0x53: {  	[tilespmem:$0x4E0] =	vst v8;
	s2 =	sor.u32 $0x1A0, s31;
	v5 =	vshrl.u32 v28, $0x6;
	v46 =	vmulhi.u32 $0x51EB851F, v44;
	v48 =	vor.u32 s8, v0  }
0x54: {  	[tilespmem:$0x4F0] =	vst v9;
	v50 =	vor.u32 s2, v0;
	vm10 =	veq.s32 v52, $0x0;
	v16 =	vsub.s32 v55, v16  }
0x55: {  	v35 =	vld [tilespmem:$0x160];
	[tilespmem:$0x2D0] =	vst v7;
	vm15 =	veq.s32 v25, $0x0;
	v7 =	vadd.s32 $0x185D8, v3;
	v5 =	vmul.u32 $0xC8, v5  }
0x56: {  	[tilespmem:$0x2E0] =	vst v12;
	s8 =	sor.u32 $0x1B0, s31;
	s2 =	sor.u32 $0x1C0, s31;
	v33 =	vshrl.u32 v31, $0x6;
	v37 =	vshrl.u32 v36, $0x6;
	v49 =	vmulhi.u32 $0x51EB851F, v48  }
0x57: {  	[tilespmem:$0x2F0] =	vst v10;
	v51 =	vmulhi.u32 $0x51EB851F, v50;
	v55 =	vor.u32 s8, v0;
	v58 =	vor.u32 s2, v0  }
0x58: {  	[tilespmem:$0x300] =	vst v11;
	v1 =	vadd.s32 $0x185D8, v16;
	v2 =	vsel vm14, $0xC8, v16;
	v4 =	vsel vm15, v7, v25  }
0x59: {  	[tilespmem:$0x500] =	vst v6;
	v7 =	vmul.u32 $0xC8, v33;
	v3 =	vsel vm15, $0xC8, v3;
	v10 =	vmul.u32 $0xC8, v37  }
0x5a: {  	[tilespmem:$0x510] =	vst v13;
	s8 =	sor.u32 $0x1D0, s31;
	vm6 =	veq.s32 v35, $0x0;
	v42 =	vshrl.u32 v41, $0x6;
	v56 =	vmulhi.u32 $0x51EB851F, v55  }
0x5b: {  	[tilespmem:$0x310] =	vst v63;
	v47 =	vshrl.u32 v46, $0x6;
	v59 =	vmulhi.u32 $0x51EB851F, v58;
	v60 =	vor.u32 s8, v0  }
0x5c: {  	s8 =	sor.u32 $0x1F0, s31;
	v1 =	vsel vm14, v1, v57;
	v5 =	vsub.s32 v27, v5;
	[tilespmem:$0x330] =	vst v4;
	v4 =	vmul.u32 $0xC8, v47  }
0x5d: {  	[tilespmem:$0x520] =	vst v2;
	v53 =	vshrl.u32 v51, $0x6;
	v63 =	vor.u32 s8, v0;
	v8 =	vadd.s32 $0x185D8, v5  }
0x5e: {  	[tilespmem:$0x530] =	vst v3;
	v7 =	vsub.s32 v29, v7;
	v5 =	vsel vm4, $0xC8, v5;
	v6 =	vsub.s32 v34, v10  }
0x5f: {  	v10 =	vmul.u32 $0xC8, v42;
	[tilespmem:$0x320] =	vst v1;
	v54 =	vmul.u32 $0xC8, v53;
	v39 =	vadd.s32 $0x185D8, v7  }
0x60: {  	v8 =	vsel vm4, v8, v30;
	v43 =	vadd.s32 $0x185D8, v6;
	v7 =	vsel vm5, $0xC8, v7;
	[tilespmem:$0x540] =	vst v5  }
0x61: {  	v1 =	vsel vm6, $0xC8, v6;
	v6 =	vsub.s32 v38, v10;
	[tilespmem:$0x340] =	vst v8;
	v8 =	vshrl.u32 v49, $0x6  }
0x62: {  	[tilespmem:$0x550] =	vst v7;
	v2 =	vadd.s32 $0x185D8, v6;
	v3 =	vsel vm7, $0xC8, v6;
	v6 =	vld [tilespmem:$0x190];
	v8 =	vmul.u32 $0xC8, v8  }
0x63: {  	v4 =	vsub.s32 v44, v4;
	v9 =	vsel vm5, v39, v32;
	v11 =	vsel vm6, v43, v35;
	[tilespmem:$0x560] =	vst v1  }
0x64: {  	v5 =	vadd.s32 $0x185D8, v4;
	v4 =	vsel vm8, $0xC8, v4;
	[tilespmem:$0x350] =	vst v9;
	v7 =	vsub.s32 v48, v8;
	v8 =	vld [tilespmem:$0x1B0]  }
0x65: {  	v1 =	vshrl.u32 v56, $0x6;
	v5 =	vsel vm8, v5, v45;
	[tilespmem:$0x360] =	vst v11;
	v9 =	vsub.s32 v50, v54  }
0x66: {  	v1 =	vmul.u32 $0xC8, v1;
	v2 =	vsel vm7, v2, v40;
	[tilespmem:$0x380] =	vst v5;
	v5 =	vshrl.u32 v59, $0x6  }
0x67: {  	[tilespmem:$0x370] =	vst v2;
	v2 =	vadd.s32 $0x185D8, v9;
	v57 =	vadd.s32 $0x185D8, v7;
	vm9 =	veq.s32 v6, $0x0  }
0x68: {  	[tilespmem:$0x570] =	vst v3;
	v1 =	vsub.s32 v55, v1;
	v3 =	vsel vm9, v57, v6;
	v6 =	vsel vm9, $0xC8, v7;
	v7 =	vld [tilespmem:$0x1C0]  }
0x69: {  	[tilespmem:$0x580] =	vst v4;
	v5 =	vmul.u32 $0xC8, v5;
	v4 =	vadd.s32 $0x185D8, v1;
	vm11 =	veq.s32 v8, $0x0  }
0x6a: {  	s2 =	sor.u32 $0x1E0, s31;
	v9 =	vsel vm10, $0xC8, v9;
	[tilespmem:$0x390] =	vst v3;
	v3 =	vsel vm11, v4, v8;
	v4 =	vmulhi.u32 $0x51EB851F, v60  }
0x6b: {  	v2 =	vsel vm10, v2, v52;
	v5 =	vsub.s32 v58, v5;
	[tilespmem:$0x590] =	vst v6;
	v6 =	vld [tilespmem:$0x1D0];
	v8 =	vor.u32 s2, v0  }
0x6c: {  	[tilespmem:$0x3A0] =	vst v2;
	v61 =	vadd.s32 $0x185D8, v5;
	v2 =	vshrl.u32 v4, $0x6;
	v4 =	vmulhi.u32 $0x51EB851F, v8  }
0x6d: {  	v62 =	vld [tilespmem:$0x1E0];
	[tilespmem:$0x5A0] =	vst v9;
	v1 =	vsel vm11, $0xC8, v1;
	vm12 =	veq.s32 v7, $0x0;
	v2 =	vmul.u32 $0xC8, v2  }
0x6e: {  	[tilespmem:$0x3B0] =	vst v3;
	v3 =	vsel vm12, v61, v7;
	v4 =	vshrl.u32 v4, $0x6;
	v7 =	vmulhi.u32 $0x51EB851F, v63  }
0x6f: {  	[tilespmem:$0x5B0] =	vst v1;
	v1 =	vsel vm12, $0xC8, v5;
	v5 =	vld [tilespmem:$0x1F0];
	v2 =	vsub.s32 v60, v2;
	v4 =	vmul.u32 $0xC8, v4  }
0x70: {  	vm13 =	veq.s32 v6, $0x0;
	[tilespmem:$0x3C0] =	vst v3;
	v3 =	vadd.s32 $0x185D8, v2;
	v7 =	vshrl.u32 v7, $0x6  }
0x71: {  	[tilespmem:$0x5C0] =	vst v1;
	v1 =	vsel vm13, v3, v6;
	v3 =	vsub.s32 v8, v4;
	v4 =	vmul.u32 $0xC8, v7  }
0x72: {  	vm14 =	veq.s32 v62, $0x0;
	[tilespmem:$0x3D0] =	vst v1;
	v1 =	vsel vm13, $0xC8, v2;
	v2 =	vadd.s32 $0x185D8, v3  }
0x73: {  	[tilespmem:$0x5D0] =	vst v1;
	v1 =	vsel vm14, v2, v62;
	v2 =	vsub.s32 v63, v4  }
0x74: {  	vm15 =	veq.s32 v5, $0x0;
	[tilespmem:$0x3E0] =	vst v1;
	v1 =	vsel vm14, $0xC8, v3;
	v3 =	vadd.s32 $0x185D8, v2  }
0x75: {  	[tilespmem:$0x5E0] =	vst v1;
	v1 =	vsel vm15, v3, v5  }
0x76: {  	[tilespmem:$0x3F0] =	vst v1;
	v1 =	vsel vm15, $0xC8, v2  }
0x77: {  	[tilespmem:$0x5F0] =	vst v1  }
0x78: {  	[tilespmem:s12], [sflag:$0x1] =	stream.indirect.gather [hbm4b:s5+s10], $0x40, s11, s10, $0xb8;
	[tilespmem:$0x10600] =	vst v63  }
0x79: {  	_ = 	snop  }
0x7a: {  	[tilespmem:s14], [sflag:$0x1] =	stream.indirect.gather [hbm4b:s6+s10], $0x40, s13, s10, $0xb8;
	[tilespmem:$0x10600] =	vst v63  }
0x7b: {  	_ = 	snop  }
0x7c: {  	[tilespmem:s16], [sflag:$0x1] =	stream.indirect.gather [hbm4b:s5+s10], $0x40, s15, s10, $0xb8;
	[tilespmem:$0x10600] =	vst v63  }
0x7d: {  	_ = 	snop  }
0x7e: {  	[tilespmem:s18], [sflag:$0x1] =	stream.indirect.gather [hbm4b:s6+s10], $0x40, s17, s10, $0xb8;
	[tilespmem:$0x10600] =	vst v63  }
0x7f: {  	_ = 	snop  }
0x80: {  	[tilespmem:s20], [sflag:$0x1] =	stream.indirect.gather [hbm4b:s5+s10], $0x40, s19, s10, $0xb8;
	[tilespmem:$0x10600] =	vst v63  }
0x81: {  	_ = 	snop  }
0x82: {  	[tilespmem:s22], [sflag:$0x1] =	stream.indirect.gather [hbm4b:s6+s10], $0x40, s21, s10, $0xb8;
	[tilespmem:$0x10600] =	vst v63  }
0x83: {  	_ = 	snop  }
0x84: {  	[tilespmem:s24], [sflag:$0x1] =	stream.indirect.gather [hbm4b:s5+s10], $0x40, s23, s10, $0xb8;
	[tilespmem:$0x10600] =	vst v63  }
0x85: {  	_ = 	snop  }
0x86: {  	[tilespmem:s26], [sflag:$0x1] =	stream.indirect.gather [hbm4b:s6+s10], $0x40, s25, s10, $0xb8;
	[tilespmem:$0x10600] =	vst v63  }
0x87: {  	_ =	swait.ge [sflag:s28], $0x2000  }
0x88: {  	[sflag:s28] =	ssyncset.done $0x0  }
0x89: {  	[sflag:s28] =	ssyncadd.s32 $0xFFFFE000  }
0x8a: {  	_ =	swait.ge [sflag:s28], $0x2000  }
0x8b: {  	[sflag:s28] =	ssyncset.done $0x0  }
0x8c: {  	[sflag:s28] =	ssyncadd.s32 $0xFFFFE000  }
0x8d: {  	_ =	swait.ge [sflag:s28], $0x2000  }
0x8e: {  	[sflag:s28] =	ssyncset.done $0x0  }
0x8f: {  	[sflag:s28] =	ssyncadd.s32 $0xFFFFE000  }
0x90: {  	_ =	swait.ge [sflag:s28], $0x2000  }
0x91: {  	[sflag:s28] =	ssyncset.done $0x0  }
0x92: {  	[sflag:s28] =	ssyncadd.s32 $0xFFFFE000  }
0x93: {  	_ =	swait.ge [sflag:s28], $0x2000  }
0x94: {  	[sflag:s28] =	ssyncset.done $0x0  }
0x95: {  	[sflag:s28] =	ssyncadd.s32 $0xFFFFE000  }
0x96: {  	_ =	swait.ge [sflag:s28], $0x2000  }
0x97: {  	[sflag:s28] =	ssyncset.done $0x0  }
0x98: {  	[sflag:s28] =	ssyncadd.s32 $0xFFFFE000  }
0x99: {  	_ =	swait.ge [sflag:s28], $0x2000  }
0x9a: {  	[sflag:s28] =	ssyncset.done $0x0  }
0x9b: {  	[sflag:s28] =	ssyncadd.s32 $0xFFFFE000  }
0x9c: {  	_ =	swait.ge [sflag:s28], $0x2000  }
0x9d: {  	[sflag:s28] =	ssyncset.done $0x0  }
0x9e: {  	s0 =	simm.s32 $0x0;
	[sflag:s28] =	ssyncadd.s32 $0xFFFFE000  }
0x9f: {  	v6 =	vld [tilespmem:s0+$0x8600]  }
0xa0: {  	v7 =	vld [tilespmem:s0+$0x8610]  }
0xa1: {  	v2 =	vld [tilespmem:s0+$0x8620]  }
0xa2: {  	v1 =	vld [tilespmem:s0+$0x8630]  }
0xa3: {  	v3 =	vld [tilespmem:s0+$0x600]  }
0xa4: {  	v5 =	vld [tilespmem:s0+$0x610]  }
0xa5: {  	s2 =	simm.s32 $0x100;
	v4 =	vld [tilespmem:s0+$0x620]  }
.LBB2_3:
0xa6: {  	s8 =	sshra.s32 s2, $0x2;
	p0 =	sne.s32 s2, $0x1FF00;
	v8 =	vld [tilespmem:s0+$0x630];
	v9 =	vmov v2  }
0xa7: {  	v10 =	vld [tilespmem:s8+$0x8600];
	v11 =	vmov v1  }
0xa8: {  	v12 =	vld [tilespmem:s8+$0x8610];
	v3 =	vadd.f32 v6, v3  }
.Ltmp0:
0xa9: {  	v2 =	vld [tilespmem:s8+$0x8620];
	v5 =	vadd.f32 v7, v5;
	(pc) =	sbr.rel @p0 .LBB2_3-.Ltmp0, $4  }
0xaa: {  	v1 =	vld [tilespmem:s8+$0x8630];
	[tilespmem:s0+$0x600] =	vst v3;
	v4 =	vadd.f32 v9, v4  }
0xab: {  	v3 =	vld [tilespmem:s8+$0x600];
	[tilespmem:s0+$0x610] =	vst v5;
	v8 =	vadd.f32 v11, v8  }
0xac: {  	v5 =	vld [tilespmem:s8+$0x610];
	[tilespmem:s0+$0x620] =	vst v4;
	v6 =	vmov v10  }
0xad: {  	s2 =	sadd.s32 $0x100, s2;
	v4 =	vld [tilespmem:s8+$0x620];
	[tilespmem:s0+$0x630] =	vst v8;
	v7 =	vmov v12;
	s0 =	smov.u32 s8  }
0xae: {  	v8 =	vld [tilespmem:s0+$0x630];
	_ =	sdelay $0x1  }
0xaf: {  	v3 =	vadd.f32 v6, v3  }
0xb0: {  	v5 =	vadd.f32 v7, v5  }
0xb1: {  	[tilespmem:s0+$0x600] =	vst v3;
	v2 =	vadd.f32 v2, v4  }
0xb2: {  	s30 =	sadd.s32 $0x1, s30;
	[tilespmem:s0+$0x610] =	vst v5;
	v1 =	vadd.f32 v1, v8  }
0xb3: {  	s2 =	sshll.u32 s31, $0x3;
	p0 =	sne.s32 s30, $0x32;
	[tilespmem:s0+$0x620] =	vst v2  }
.Ltmp1:
0xb4: {  	s31 =	sadd.s32 s1, s2;
	[tilespmem:s0+$0x630] =	vst v1;
	(pc) =	sbr.rel @p0 .LBB2_2-.Ltmp1, $4  }
0xb5: {  	[hbm4b:s31+s3] =	stream.linear.scatter [tilespmem:s12], [sflag:$0x2], $0x8000, $0x38;
	[tilespmem:$0x10600] =	vst v63  }
0xb6: {  	_ =	swait.ge [sflag:s9], $0x8000  }
0xb7: {  	[sflag:s9] =	ssyncset.done $0x0  }
0xb8: {  	[sflag:s9] =	ssyncadd.s32 $0xFFFF8000  }
0xb9: {  	s29 =	sadd.s32 $0x1, s29;
	s0 =	rddreg [dreg:$0x3]  }
0xba: {  	p0 =	sne.s32 s29, s0  }
.Ltmp2:
0xbb: {  	_ = 	snop;
	(pc) =	sbr.rel @p0 .LBB2_1-.Ltmp2, $1  }
0xbc: {  	_ =	sdelay $0x3  }
0xbd: {  	_ =	sfence.sel $0x180000  }
0xbe: {  	[bflag:$0x0] =	sbarrier.arrive $0xFFFF  }
0xbf: {  	_ =	strace $0x90000047  }
0xc0: {  	s0 =	stileid.u32;
	[bflag:$0x2] =	sbarrier.arrive $0xFFFF  }
0xc1: {  	p0 =	sne.s32 s0, $0x0;
	s0 =	rddreg [dreg:$0x2]  }
0xc2: {  	s0 =	sadd.s32 @!p0 $0x100000, s0  }
0xc3: {  	[sflag:s0] =	ssyncadd.tile.s32 @!p0 $0x1;
	_ =	shalt  }
.Lfunc_end2:
_tile_overlayer_lowered:
.L_overlay_start_2:
0xc4: {  	(tag) =	ssettag $0x2  }
0xc5: {  	s0 =	rddreg [dreg:$0x0];
	s2 =	stileid.u32  }
0xc6: {  	s1 =	rddreg [dreg:$0x1];
	p0 =	sne.s32 s2, $0x0  }
0xc7: {  	s3 =	rddreg [dreg:$0x2];
	[bflag:$0x3] =	sbarrier.arrive $0xFFFF;
	s2 =	simm.s32 @!p0 $0x1C02  }
0xc8: {  	[timem:s3], [sflag:s2] =	dma.local @!p0 [hbm:s0], s1  }
0xc9: {  	s0 =	simm.s32 @!p0 $0x2  }
0xca: {  	_ =	swait.ge @!p0 [sflag:s0], s1  }
0xcb: {  	s1 =	ssub.s32 @!p0 $0x0, s1;
	[sflag:s0] =	ssyncset.done @!p0 $0x0  }
0xcc: {  	[sflag:s0] =	ssyncadd.s32 @!p0 s1  }
0xcd: {  	[bflag:$0x3] =	sbarrier.arrive $0xFFFF  }
0xce: {  	_ =	shalt  }

// kernel: sparse-core-data-format-call.cloned.1.call-start
scs
called_computation_lowered:
.L_overlay_start_0:
0x0: {  	s2 =	sld [smem:$0x3FD9]  }
0x1: {  	s3 =	sld [smem:$0x3FFE];
	_ =	sdelay $0x1  }
0x2: {  	s1 =	srdreg.scid  }
0x3: {  	s0 =	sand.u32 $0x1, s1  }
0x4: {  	s18 =	sshll.u32 s0, $0xA;
	s2 =	sadd.s32 s3, s2  }
0x5: {  	s2 =	sadd.s32 s2, s18  }
0x6: {  	[smem:$0x3FC5] =	sst s2  }
0x7: {  	_ = 	snop  }
0x8: {  	s2 =	sld [smem:$0x3FD0];
	(tm) =	ssettm $0x1  }
0x9: {  	s19 =	sld [smem:$0x3FFB];
	_ =	sdelay $0x3  }
0xa: {  	_ =	strace s19  }
0xb: {  	s3 =	sld [smem:$0x3FFC];
	_ =	sdelay $0x3  }
0xc: {  	_ =	strace s3  }
0xd: {  	s3 =	sld [smem:$0x3FFD];
	_ =	sdelay $0x3  }
0xe: {  	_ =	strace s3  }
0xf: {  	_ =	strace $0x8FFFFFFF  }
0x10: {  	s20 =	sld [smem:$0x3FDB];
	_ =	sdelay $0x1  }
0x11: {  	s4 =	simm.s32 $_scs_section_size  }
0x12: {  	s5 =	simm.s32 $_size__tile_overlayer_lowered;
	s6 =	simm.s32 $_tile_overlayer_lowered  }
0x13: {  	s23 =	simm.s32 $0x1BFF;
	s22 =	sshll.u32 s6, $0x1;
	s3 =	sadd.s32 s4, s20  }
0x14: {  	s7 =	simm.s32 $0x0;
	s21 =	sshll.u32 s5, $0x1;
	s5 =	sadd.s32 s22, s3  }
0x15: {  	[timem:s7], [sflag:s23] =	dma.local [hbm:s5], s21  }
0x16: {  	_ =	swait.ge [sflag:s23], s21  }
0x17: {  	s4 =	ssub.s32 $0x0, s21;
	[sflag:s23] =	ssyncset.done $0x0  }
0x18: {  	[sflag:s23] =	ssyncadd.s32 s4;
	_ =	sdelay $0x1  }
0x19: {  	s24 =	simm.s32 $0x1B8B  }
0x1a: {  	_ =	swait.ge [sflag:s24], $0x1  }
0x1b: {  	[sflag:s24] =	ssyncset.done $0x0  }
0x1c: {  	s26 =	simm.s32 $0x1B8E;
	s25 =	sld [smem:$0x3FFE];
	[sflag:s24] =	ssyncadd.s32 $0xFFFFFFFF  }
0x1d: {  	s27 =	simm.s32 $execute0_lowered;
	[smem:$0x3FD2] =	sst s26  }
0x1e: {  	s5 =	sshll.u32 s27, $0x1;
	_ =	strace $0x80000049;
	[dreg:$0x1] =	wrdreg $0xFFFFFFFF  }
0x1f: {  	s28 =	simm.s32 $_size_execute0_lowered;
	s3 =	sadd.s32 s3, s5;
	[dreg:$0x0] =	wrdreg $0x0  }
0x20: {  	s5 =	sshll.u32 s28, $0x1;
	[dreg:$0x2] =	wrdreg s3  }
0x21: {  	[dreg:$0x3] =	wrdreg s5  }
0x22: {  	[dreg:$0x4] =	wrdreg $0xC0  }
0x23: {  	_ =	task [dreg:s7], $0x5FFFF  }
0x24: {  	[dreg:$0x1] =	wrdreg $0xFFFFFFFF  }
0x25: {  	[dreg:$0x0] =	wrdreg $0x60  }
0x26: {  	[dreg:$0x2] =	wrdreg s25  }
0x27: {  	[dreg:$0x3] =	wrdreg s2  }
0x28: {  	[dreg:$0x4] =	wrdreg $0x9  }
0x29: {  	_ =	task.clear_ibuf [dreg:s7], $0x5FFFF;
	_ =	strace $0x90000049  }
0x2a: {  	s29 =	simm.s32 $0x9;
	_ =	strace $0x8000004B  }
0x2b: {  	_ =	swait.ge [sflag:s29], $0x1  }
0x2c: {  	[sflag:s29] =	ssyncadd.s32 $0xFFFFFFFF  }
0x2d: {  	_ =	strace $0x9000004B  }
0x2e: {  	_ =	sfence  }
0x2f: {  	s30 =	sld [smem:$0x0];
	_ =	sdelay $0x2  }
0x30: {  	s31 =	sshll.u32 s1, $0xD;
	s1 =	sshrl.u32 s1, $0x2  }
0x31: {  	s3 =	sand.u32 $0x4000, s31;
	s1 =	sadd.s32 s1, s30  }
0x32: {  	s0 =	sor.u32 s3, s0;
	s1 =	sshll.u32 s1, $0x11  }
0x33: {  	s0 =	sor.u32 s1, s0  }
0x34: {  	s0 =	sadd.s32 $0x8F2B, s0  }
0x35: {  	[sflag:s0] =	ssyncadd.remote.s32 $0x1  }
0x36: {  	_ =	sfence.sel $0xFFFF  }
0x37: {  	[dreg:$0x0] =	wrdreg $0xFFFFFFFF;
	(pc) =	sbr.abs _section_cstart, $3  }
0x38: {  	[dreg:$0x1] =	wrdreg $0xFFFFFFFF  }
0x39: {  	_ =	task.clear_ibuf [dreg:s7], $0x2FFFF;
	_ =	strace $0x9FFFFFFF  }
0x3a: {  	(tm) =	ssettm $0x7FFFFFFF  }
0x3b: {  	_ =	shalt  }
tec
execute0_lowered:
.L_overlay_start_1:
0x0: {  	(tag) =	ssettag $0x1  }
0x1: {  	s0 =	srdreg.scid  }
0x2: {  	s1 =	sshll.u32 s0, $0x4  }
0x3: {  	s0 =	stileid.u32;
	s1 =	sand.u32 $0x10, s1  }
0x4: {  	s1 =	sor.u32 s0, s1  }
0x5: {  	s6 =	rddreg [dreg:$0x0];
	s4 =	simm.s32 $0x1;
	s2 =	sshll.u32 s1, $0x7  }
0x6: {  	s7 =	simm.s32 $0x2;
	s12 =	simm.s32 $0x0;
	s1 =	ssub.s32 $0x1000, s2  }
0x7: {  	s8 =	simm.s32 $0x8000;
	s13 =	simm.s32 $0x0;
	s3 =	sand.u32 $0xF80, s1  }
0x8: {  	s9 =	simm.s32 $0x0;
	s5 =	sshrl.u32 s1, $0xC;
	p0 =	sne.s32 s3, $0x0  }
.Ltmp0:
0x9: {  	s1 =	rddreg [dreg:$0x2];
	s4 =	simm.s32 @!p0 $0x0;
	(pc) =	sbr.rel .LBB1_1-.Ltmp0, $4  }
0xa: {  	s11 =	simm.s32 $0x0;
	s3 =	rddreg [dreg:$0x1];
	s5 =	sadd.s32 s4, s5  }
0xb: {  	_ =	strace $0x8000004A;
	s4 =	simm.s32 $0x1;
	s5 =	smul.u32 $0xC8, s5  }
0xc: {  	s6 =	sadd.s32 $0x800, s6;
	s10 =	smov.u32 s2;
	[sflag:s4] =	ssyncpa.u1 $0x0  }
0xd: {  	p0 =	por $0x0, $0x0;
	[sflag:s7] =	ssyncpa.u1 $0x0;
	s7 =	sor.u32 $0x1, s5  }
.LBB1_4:
0xe: {  	s16 =	sshll.u32 s13, $0x3;
	s17 =	sand.u32 $0x78, s13  }
0xf: {  	s30 =	sand.u32 $0x7E00, s13;
	s12 =	sshll.u32 s12, $0xF;
	s16 =	sand.u32 $0xC00, s16  }
0x10: {  	[tilespmem:s15+$0x810 ss:$0x81] =	vst.msk $0xffff, v2;
	s31 =	sand.u32 $0x7, s13;
	s16 =	sor.u32 s17, s16;
	s17 =	sadd.s32 s3, s30  }
0x11: {  	[tilespmem:s15+$0x1020 ss:$0x81] =	vst.msk $0xffff, v0;
	s13 =	sshll.u32 s31, $0x12;
	s12 =	sadd.s32 s12, s17;
	s16 =	sshrl.u32 s16, $0x3  }
0x12: {  	[tilespmem:s15+$0x0 ss:$0x81] =	vst.msk $0xffff, v1;
	s13 =	sor.u32 $0x400, s13;
	s12 =	sadd.s32 s16, s12  }
0x13: {  	[hbm4b:s12+s13] =	stream.strided.scatter [tilespmem:s14], [sflag:$0x2], $0x2000, s8, s13, $0x20;
	[tilespmem:$0x8080] =	vst v63  }
.LBB1_5:
0x14: {  	s14 =	sadd.s32 $0x1, s9  }
0x15: {  	s12 =	sadd.s32 $0x1000, s10;
	s16 =	smov.u32 s10;
	p2 =	sgt.s32 s14, $0xC7  }
0x16: {  	s16 =	smov.u32 @p2 s12  }
0x17: {  	s14 =	simm.s32 @p2 $0x0;
	p2 =	sgt.s32 s16, $0xFFF  }
0x18: {  	s16 =	smov.u32 @p2 s2;
	p2 =	sne.s32 s11, s7  }
.Ltmp1:
0x19: {  	p1 =	slt.u32 s11, $0x2;
	(pc) =	sbr.rel @!p2 .LBB1_6-.Ltmp1, $4  }
0x1a: {  	s15 =	simm.s32 @!p1 $0x2  }
0x1b: {  	s13 =	smov.u32 s10;
	p0 =	por !p0, !p0;
	_ =	swait.ge @!p1 [sflag:s15], $0x2000  }
0x1c: {  	s12 =	smov.u32 s9;
	[sflag:s15] =	ssyncset.done @!p1 $0x0;
	s9 =	smov.u32 s14  }
0x1d: {  	s11 =	sadd.s32 $0x1, s11;
	[sflag:s15] =	ssyncadd.s32 @!p1 $0xFFFFE000;
	s10 =	smov.u32 s16  }
.LBB1_1:
0x1e: {  	p1 =	sge.u32 s11, s5  }
0x1f: {  	s14 =	sand.u32 @!p1 $0x1FFFFFF, s9  }
0x20: {  	s15 =	smulhi.u32 @!p1 $0x147AE15, s14;
	_ =	sdelay $0x1  }
0x21: {  	s15 =	smul.u32 @!p1 $0xC8, s15  }
0x22: {  	s16 =	sxor.u32 @!p1 $0xFFFFFFFF, s11;
	s17 =	smul.u32 @!p1 $0xC80, s10  }
0x23: {  	s31 =	sadd.s32 $0xFFFFFFFF, s11;
	s16 =	sshll.u32 @!p1 s16, $0xD;
	s14 =	ssub.s32 @!p1 s14, s15  }
0x24: {  	s15 =	sand.u32 @!p1 $0x2000, s16;
	s16 =	sadd.s32 @!p1 s6, s17;
	s14 =	sshll.u32 @!p1 s14, $0x4  }
0x25: {  	s17 =	simm.s32 @!p1 $0x6400;
	s14 =	sadd.s32 @!p1 s14, s16;
	s16 =	simm.s32 @!p1 $0x40  }
0x26: {  	[tilespmem:s15], [sflag:$0x1] =	stream.strided.gather @!p1 [hbm4b:s14+s16], $0x2000, s17, s16, $0x38;
	[tilespmem:$0x8080] =	vst v63  }
0x27: {  	p1 =	sge.u32 s31, s5  }
.Ltmp2:
0x28: {  	_ = 	snop;
	(pc) =	sbr.rel @p1 .LBB1_5-.Ltmp2, $1  }
0x29: {  	_ =	sdelay $0x3  }
0x2a: {  	s14 =	simm.s32 $0x1  }
0x2b: {  	_ =	swait.ge [sflag:s4], $0x2000;
	s14 =	simm.s32 @!p0 $0x0  }
0x2c: {  	[sflag:s4] =	ssyncset.done $0x0;
	s15 =	sshll.u32 s14, $0xD  }
0x2d: {  	[sflag:s4] =	ssyncadd.s32 $0xFFFFE000;
	s18 =	sor.u32 $0x20, s15  }
0x2e: {  	s14 =	smul.u32 $0x8100, s14;
	v3 =	vld [tilespmem:s18+$0x10]  }
0x2f: {  	s30 =	sand.u32 $0x1, s11;
	v2 =	vld [tilespmem:s18+$0xFFFFFFF0]  }
0x30: {  	s15 =	smul.u32 $0x8100, s30;
	s14 =	sshrl.u32 s14, $0x2;
	v0 =	vld [tilespmem:s18+$0x0]  }
0x31: {  	v1 =	vld [tilespmem:s18+$0xFFFFFFE0];
	s16 =	sor.u32 $0x4000, s14  }
0x32: {  	s31 =	sshrl.u32 s15, $0x2;
	s15 =	sadd.s32 $0x0, s16  }
0x33: {  	s17 =	simm.s32 $0x4;
	s18 =	sadd.s32 $0x40, s18;
	s14 =	sor.u32 $0x4000, s31;
	[tilespmem:s15+$0x1830 ss:$0x81] =	vst.msk $0xffff, v3  }
.LBB1_3:
0x34: {  	v3 =	vld [tilespmem:s18+$0x10];
	p1 =	sne.s32 s17, $0x1FC;
	[tilespmem:s15+$0x810 ss:$0x81] =	vst.msk $0xffff, v2;
	s19 =	smov.u32 s17;
	s17 =	sadd.s32 $0x4, s17  }
.Ltmp3:
0x35: {  	v2 =	vld [tilespmem:s18+$0xFFFFFFF0];
	[tilespmem:s15+$0x1020 ss:$0x81] =	vst.msk $0xffff, v0;
	(pc) =	sbr.rel @p1 .LBB1_3-.Ltmp3, $4  }
0x36: {  	v0 =	vld [tilespmem:s18+$0x0];
	[tilespmem:s15+$0x0 ss:$0x81] =	vst.msk $0xffff, v1  }
0x37: {  	s15 =	sshra.s32 s19, $0x2;
	v1 =	vld [tilespmem:s18+$0xFFFFFFE0]  }
0x38: {  	s15 =	sadd.s32 s15, s16  }
0x39: {  	s18 =	sadd.s32 $0x40, s18;
	[tilespmem:s15+$0x1830 ss:$0x81] =	vst.msk $0xffff, v3  }
.Ltmp4:
0x3a: {  	_ = 	snop;
	(pc) =	sbr.rel .LBB1_4-.Ltmp4, $1  }
0x3b: {  	_ =	sdelay $0x3  }
.LBB1_6:
0x3c: {  	_ =	sfence.sel $0x180000  }
0x3d: {  	s2 =	simm.s32 $0x1;
	[bflag:$0x0] =	sbarrier.arrive $0xFFFF  }
0x3e: {  	s31 =	simm.s32 $0x2;
	[sflag:s2] =	ssyncpa.u1 $0x1  }
0x3f: {  	[sflag:s31] =	ssyncpa.u1 $0x1  }
0x40: {  	p0 =	sne.s32 s0, $0x0;
	_ =	strace $0x9000004A  }
0x41: {  	s0 =	sadd.s32 @!p0 $0x100000, s1;
	[bflag:$0x2] =	sbarrier.arrive $0xFFFF  }
0x42: {  	[sflag:s0] =	ssyncadd.tile.s32 @!p0 $0x1;
	_ =	shalt  }
.Lfunc_end1:
_tile_overlayer_lowered:
.L_overlay_start_2:
0x43: {  	(tag) =	ssettag $0x2  }
0x44: {  	s0 =	rddreg [dreg:$0x0];
	s2 =	stileid.u32  }
0x45: {  	s1 =	rddreg [dreg:$0x1];
	p0 =	sne.s32 s2, $0x0  }
0x46: {  	s3 =	rddreg [dreg:$0x2];
	[bflag:$0x3] =	sbarrier.arrive $0xFFFF;
	s2 =	simm.s32 @!p0 $0x1C01  }
0x47: {  	[timem:s3], [sflag:s2] =	dma.local @!p0 [hbm:s0], s1  }
0x48: {  	s0 =	simm.s32 @!p0 $0x1  }
0x49: {  	_ =	swait.ge @!p0 [sflag:s0], s1  }
0x4a: {  	s1 =	ssub.s32 @!p0 $0x0, s1;
	[sflag:s0] =	ssyncset.done @!p0 $0x0  }
0x4b: {  	[sflag:s0] =	ssyncadd.s32 @!p0 s1  }
0x4c: {  	[bflag:$0x3] =	sbarrier.arrive $0xFFFF  }
0x4d: {  	_ =	shalt  }

</sc_bundles>
